<compile_context>
chip_gen: v7x
topology: tpu7x:2x2x1
jax: 0.10.2.dev20260603
libtpu: 0.0.44.dev20260713+nightly
codegen_flags: <defaults>
</compile_context>

<pallas_src>
import functools

import jax
import jax.numpy as jnp
from jax import lax
from jax.experimental import pallas as pl
from jax.experimental.pallas import tpu as pltpu
from jax.experimental.pallas import tpu_sc as plsc

_D = 1280
_VPAD = 72
_RPS = 8
_NBUF = 2


def _build_lookup(batch: int, seqlen: int, chunk: int):
    info = plsc.get_sparse_core_info()
    nc, ns = info.num_cores, info.num_subcores
    num_tokens = batch * seqlen
    tpw = num_tokens // (nc * ns)
    assert num_tokens % (nc * ns) == 0 and tpw % chunk == 0 and seqlen % tpw == 0
    nchunks = tpw // chunk
    wpb = seqlen // tpw
    nbuilders = _VPAD // _RPS

    mesh = plsc.VectorSubcoreMesh(core_axis_name="c", subcore_axis_name="s")

    @functools.partial(
        pl.kernel,
        mesh=mesh,
        out_type=jax.ShapeDtypeStruct((batch, seqlen, 2 * _D), jnp.float32),
        scratch_types=[
            pltpu.VMEM((tpw,), jnp.int32),
            pltpu.VMEM((16,), jnp.int32),
            pltpu.VMEM((_RPS, _D), jnp.float32),
            pltpu.VMEM((_NBUF, chunk, 2 * _D), jnp.float32),
            pltpu.VMEM_SHARED((_VPAD, 2 * _D), jnp.float32),
            pltpu.SemaphoreType.DMA,
            pltpu.SemaphoreType.DMA,
        ],
    )
    def lookup(x_hbm, c2a_hbm, codon_hbm, aa_hbm, out_hbm,
               x_v, idx_v, stage_v, buf, fused_sp, gsem, wsem):
        sc = lax.axis_index("c")
        sid = lax.axis_index("s")
        wid = sid * nc + sc
        b = wid // wpb
        l0 = (wid % wpb) * tpw

        pltpu.sync_copy(x_hbm.at[b, pl.ds(l0, tpw)], x_v)

        t0 = (nbuilders - 1) * _RPS
        vtail = codon_hbm.shape[0] - t0

        @pl.when(sid < nbuilders - 1)
        def _build():
            r0 = sid * _RPS
            pltpu.sync_copy(c2a_hbm.at[pl.ds(r0, _RPS)], idx_v.at[pl.ds(0, _RPS)])
            ga = pltpu.async_copy(
                aa_hbm.at[idx_v.at[pl.ds(0, _RPS)]], stage_v, gsem)
            pltpu.sync_copy(codon_hbm.at[pl.ds(r0, _RPS)],
                            fused_sp.at[pl.ds(r0, _RPS), pl.ds(0, _D)])
            ga.wait()
            pltpu.sync_copy(stage_v,
                            fused_sp.at[pl.ds(r0, _RPS), pl.ds(_D, _D)])

        @pl.when(sid == nbuilders - 1)
        def _build_tail():
            idx_v[...] = jnp.zeros((16,), jnp.int32)
            pltpu.sync_copy(c2a_hbm.at[pl.ds(t0, vtail)],
                            idx_v.at[pl.ds(0, vtail)])
            ga = pltpu.async_copy(
                aa_hbm.at[idx_v.at[pl.ds(0, _RPS)]], stage_v, gsem)
            pltpu.sync_copy(codon_hbm.at[pl.ds(t0, vtail)],
                            fused_sp.at[pl.ds(t0, vtail), pl.ds(0, _D)])
            ga.wait()
            pltpu.sync_copy(stage_v,
                            fused_sp.at[pl.ds(t0, _RPS), pl.ds(_D, _D)])
        plsc.subcore_barrier()

        def wait_one_write():
            pltpu.make_async_copy(
                buf.at[0], out_hbm.at[b, pl.ds(l0, chunk)], wsem).wait()

        def body(c, _):
            slot = lax.rem(c, _NBUF)

            @pl.when(c >= _NBUF)
            def _wait():
                wait_one_write()

            xv = x_v[pl.ds(c * chunk, chunk)]
            rows = []
            for j in range(chunk):
                rows.append(pltpu.async_copy(
                    fused_sp.at[pl.ds(xv[j], 1)],
                    buf.at[slot, pl.ds(j, 1)], gsem))
            for r in rows:
                r.wait()
            pltpu.async_copy(
                buf.at[slot],
                out_hbm.at[b, pl.ds(l0 + c * chunk, chunk)], wsem)
            return 0

        lax.fori_loop(0, nchunks, body, 0)
        for _ in range(_NBUF):
            wait_one_write()

    return lookup


def kernel(x, aa_table, codon_table, codon_to_aa):
    b, l = x.shape
    v = codon_table.shape[0]
    xi = x.astype(jnp.int32)
    c2a = codon_to_aa.astype(jnp.int32)
    lookup = _build_lookup(b, l, 16)
    return lookup(xi, c2a, codon_table, aa_table)

# --- scband reference (transcript-rebuilt; emitter-appended) ---
"""Pipeline reference for scband-hybrid-embedding-26603027431831 (READ-ONLY COPY).

The authoritative reference and input builder live on the scoring server;
editing this copy changes nothing except your own understanding.
"""

import jax, jax.numpy as jnp
import numpy as np

AA_VOCAB = 33
CODON_VOCAB = 70
ESM_DIM = 1280
CODON_DIM = 1280
B, L = 4, 2048

def setup_inputs(seed: int = 0) -> dict:
    key = jax.random.key(seed)
    k1, k2, k3, k4 = jax.random.split(key, 4)
    x = jax.random.randint(k1, (B, L), 0, CODON_VOCAB, dtype=jnp.int64 if jax.config.jax_enable_x64 else jnp.int32)
    aa_table = jax.random.normal(k2, (AA_VOCAB, ESM_DIM), dtype=jnp.float32) * 0.02
    codon_table = jax.random.normal(k3, (CODON_VOCAB, CODON_DIM), dtype=jnp.float32) * 0.02
    codon_to_aa = jax.random.randint(k4, (CODON_VOCAB,), 0, AA_VOCAB, dtype=jnp.int32)
    return {"x": x, "aa_table": aa_table, "codon_table": codon_table, "codon_to_aa": codon_to_aa}

def reference(x, aa_table, codon_table, codon_to_aa):
    # aa_tok_idx = self.codon_to_aa_mapping[x]
    aa_tok_idx = jnp.take(codon_to_aa, x, axis=0)
    # aa_emb = self.aa_embedding(aa_tok_idx)
    aa_emb = jnp.take(aa_table, aa_tok_idx, axis=0)
    # codon_emb = self.codon_embedding(x)
    codon_emb = jnp.take(codon_table, x, axis=0)
    # torch.cat([codon_emb, aa_emb], dim=-1)
    return jnp.concatenate([codon_emb, aa_emb], axis=-1)

if __name__ == "__main__":
    import jax
    _d = setup_inputs()
    print(jax.jit(kernel)(*tuple(_d.values())))

</pallas_src>

<mosaic_0001>
#map = affine_map<(d0, d1) -> (0, 0)>
#map1 = affine_map<(d0, d1) -> (0)>
#map2 = affine_map<(d0, d1) -> (0, 0, 0)>
module attributes {stable_mosaic.version = 14 : i64} {
  func.func @lookup(%arg0: i32, %arg1: i32, %arg2: memref<4x2048xi32, #tpu.memory_space<hbm>>, %arg3: memref<70xi32, #tpu.memory_space<hbm>>, %arg4: memref<70x1280xf32, #tpu.memory_space<hbm>>, %arg5: memref<33x1280xf32, #tpu.memory_space<hbm>>, %arg6: memref<4x2048x2560xf32, #tpu.memory_space<hbm>>, %arg7: memref<256xi32, #tpu.memory_space<vmem>>, %arg8: memref<16xi32, #tpu.memory_space<vmem>>, %arg9: memref<8x1280xf32, #tpu.memory_space<vmem>>, %arg10: memref<2x16x2560xf32, #tpu.memory_space<vmem>>, %arg11: memref<72x2560xf32, #tpu.memory_space<vmem_shared>>, %arg12: memref<!tpu.dma_semaphore, #tpu.memory_space<semaphore_mem>>, %arg13: memref<!tpu.dma_semaphore, #tpu.memory_space<semaphore_mem>>) attributes {dimension_semantics = [#tpu.dimension_semantics<core_parallel>, #tpu.dimension_semantics<subcore_parallel>], iteration_bounds = array<i64: 2, 16>, scalar_prefetch = 0 : i64, scratch_operands = 7 : i64, tpu.core_type = #tpu.core_type<sc_vector_subcore>, window_params = [{transform_indices = #map}, {transform_indices = #map1}, {transform_indices = #map}, {transform_indices = #map}, {transform_indices = #map2}]} {
    %mul3A = arith.constant 2 : i32
    %mul3A_0 = arith.muli %arg1, %mul3A : i32
    %add3A = arith.addi %mul3A_0, %arg0 : i32
    %jit3A = arith.constant 8 : i32
    %div3A = arith.divsi %add3A, %jit3A : i32
    %sign3A = arith.constant 0 : i32
    %sign3A_1 = arith.cmpi sgt, %add3A, %sign3A : i32
    %sign3A_2 = arith.extui %sign3A_1 : i1 to i32
    %sign3A_3 = arith.constant 0 : i32
    %sign3A_4 = arith.cmpi slt, %add3A, %sign3A_3 : i32
    %sign3A_5 = arith.extui %sign3A_4 : i1 to i32
    %sign3A_6 = arith.subi %sign3A_2, %sign3A_5 : i32
    %sign3A_7 = arith.constant 0 : i32
    %sign3A_8 = arith.cmpi sgt, %jit3A, %sign3A_7 : i32
    %sign3A_9 = arith.extui %sign3A_8 : i1 to i32
    %sign3A_10 = arith.constant 0 : i32
    %sign3A_11 = arith.cmpi slt, %jit3A, %sign3A_10 : i32
    %sign3A_12 = arith.extui %sign3A_11 : i1 to i32
    %sign3A_13 = arith.subi %sign3A_9, %sign3A_12 : i32
    %ne3A = arith.cmpi ne, %sign3A_6, %sign3A_13 : i32
    %rem3A = arith.remsi %add3A, %jit3A : i32
    %ne3A_14 = arith.constant 0 : i32
    %ne3A_15 = arith.cmpi ne, %rem3A, %ne3A_14 : i32
    %and3A = arith.andi %ne3A, %ne3A_15 : i1
    %sub3A = arith.constant 1 : i32
    %sub3A_16 = arith.subi %div3A, %sub3A : i32
    %select_n3A = arith.select %and3A, %sub3A_16, %div3A : i32
    %jit3A_17 = arith.constant 8 : i32
    %eq3A = arith.constant 0 : i32
    %eq3A_18 = arith.cmpi eq, %jit3A_17, %eq3A : i32
    %jit3A_19 = arith.constant 1 : i32
    %select_n3A_20 = arith.select %eq3A_18, %jit3A_19, %jit3A_17 : i32
    %rem3A_21 = arith.remsi %add3A, %select_n3A_20 : i32
    %ne3A_22 = arith.constant 0 : i32
    %ne3A_23 = arith.cmpi ne, %rem3A_21, %ne3A_22 : i32
    %lt3A = arith.constant 0 : i32
    %lt3A_24 = arith.cmpi slt, %rem3A_21, %lt3A : i32
    %lt3A_25 = arith.constant 0 : i32
    %lt3A_26 = arith.cmpi slt, %select_n3A_20, %lt3A_25 : i32
    %ne3A_27 = arith.xori %lt3A_24, %lt3A_26 : i1
    %and3A_28 = arith.andi %ne3A_27, %ne3A_23 : i1
    %add3A_29 = arith.addi %rem3A_21, %select_n3A_20 : i32
    %select_n3A_30 = arith.select %and3A_28, %add3A_29, %rem3A_21 : i32
    %mul3A_31 = arith.constant 256 : i32
    %mul3A_32 = arith.muli %select_n3A_30, %mul3A_31 : i32
    "tpu.region"() ({
      %run_scoped3A = tpu.sem_alloc : memref<!tpu.dma_semaphore, #tpu.memory_space<semaphore_mem>>
      %dma_start3A = tpu.memref_slice %arg2[%select_n3A, %mul3A_32] : memref<4x2048xi32, #tpu.memory_space<hbm>> -> memref<1x256xi32, #tpu.memory_space<hbm>>
      %dma_start3A_76 = tpu.memref_squeeze %dma_start3A : memref<1x256xi32, #tpu.memory_space<hbm>> -> memref<256xi32, #tpu.memory_space<hbm>>
      %dma_start3A_77 = tpu.memref_slice %arg2[%select_n3A, %mul3A_32] : memref<4x2048xi32, #tpu.memory_space<hbm>> -> memref<1x256xi32, #tpu.memory_space<hbm>>
      %dma_start3A_78 = tpu.memref_squeeze %dma_start3A_77 : memref<1x256xi32, #tpu.memory_space<hbm>> -> memref<256xi32, #tpu.memory_space<hbm>>
      tpu.enqueue_dma source(%dma_start3A_78 : memref<256xi32, #tpu.memory_space<hbm>>) target(%arg7 : memref<256xi32, #tpu.memory_space<vmem>>) target_semaphore(%run_scoped3A : memref<!tpu.dma_semaphore, #tpu.memory_space<semaphore_mem>>)
      %dma_wait3A_79 = tpu.memref_slice %arg2[%select_n3A, %mul3A_32] : memref<4x2048xi32, #tpu.memory_space<hbm>> -> memref<1x256xi32, #tpu.memory_space<hbm>>
      %dma_wait3A_80 = tpu.memref_squeeze %dma_wait3A_79 : memref<1x256xi32, #tpu.memory_space<hbm>> -> memref<256xi32, #tpu.memory_space<hbm>>
      %dma_wait3A_81 = tpu.memref_slice %arg2[%select_n3A, %mul3A_32] : memref<4x2048xi32, #tpu.memory_space<hbm>> -> memref<1x256xi32, #tpu.memory_space<hbm>>
      %dma_wait3A_82 = tpu.memref_squeeze %dma_wait3A_81 : memref<1x256xi32, #tpu.memory_space<hbm>> -> memref<256xi32, #tpu.memory_space<hbm>>
      tpu.wait_dma2 semaphore(%run_scoped3A : memref<!tpu.dma_semaphore, #tpu.memory_space<semaphore_mem>>) src(%dma_wait3A_82 : memref<256xi32, #tpu.memory_space<hbm>>) dst(%arg7 : memref<256xi32, #tpu.memory_space<vmem>>)
      tpu.yield
    }) : () -> ()
    %lt3A_33 = arith.constant 8 : i32
    %lt3A_34 = arith.cmpi slt, %arg1, %lt3A_33 : i32
    %convert_element_type3A = arith.extui %lt3A_34 : i1 to i32
    %cond3A = arith.constant 0 : i32
    %cond3A_35 = arith.cmpi ne, %convert_element_type3A, %cond3A : i32
    scf.if %cond3A_35 {
      %mul3A_76 = arith.constant 8 : i32
      %mul3A_77 = arith.muli %arg1, %mul3A_76 : i32
      "tpu.region"() ({
        %run_scoped3A = tpu.sem_alloc : memref<!tpu.dma_semaphore, #tpu.memory_space<semaphore_mem>>
        %dma_start3A_87 = arith.constant 0 : i32
        %dma_start3A_88 = tpu.memref_slice %arg8[%dma_start3A_87] : memref<16xi32, #tpu.memory_space<vmem>> -> memref<8xi32, #tpu.memory_space<vmem>>
        %dma_start3A_89 = tpu.memref_slice %arg3[%mul3A_77] : memref<70xi32, #tpu.memory_space<hbm>> -> memref<8xi32, #tpu.memory_space<hbm>>
        %dma_start3A_90 = arith.constant 0 : i32
        %dma_start3A_91 = tpu.memref_slice %arg8[%dma_start3A_90] : memref<16xi32, #tpu.memory_space<vmem>> -> memref<8xi32, #tpu.memory_space<vmem>>
        %dma_start3A_92 = tpu.memref_slice %arg3[%mul3A_77] : memref<70xi32, #tpu.memory_space<hbm>> -> memref<8xi32, #tpu.memory_space<hbm>>
        tpu.enqueue_dma source(%dma_start3A_92 : memref<8xi32, #tpu.memory_space<hbm>>) target(%dma_start3A_91 : memref<8xi32, #tpu.memory_space<vmem>>) target_semaphore(%run_scoped3A : memref<!tpu.dma_semaphore, #tpu.memory_space<semaphore_mem>>)
        %dma_wait3A_93 = arith.constant 0 : i32
        %dma_wait3A_94 = tpu.memref_slice %arg8[%dma_wait3A_93] : memref<16xi32, #tpu.memory_space<vmem>> -> memref<8xi32, #tpu.memory_space<vmem>>
        %dma_wait3A_95 = tpu.memref_slice %arg3[%mul3A_77] : memref<70xi32, #tpu.memory_space<hbm>> -> memref<8xi32, #tpu.memory_space<hbm>>
        %dma_wait3A_96 = arith.constant 0 : i32
        %dma_wait3A_97 = tpu.memref_slice %arg8[%dma_wait3A_96] : memref<16xi32, #tpu.memory_space<vmem>> -> memref<8xi32, #tpu.memory_space<vmem>>
        %dma_wait3A_98 = tpu.memref_slice %arg3[%mul3A_77] : memref<70xi32, #tpu.memory_space<hbm>> -> memref<8xi32, #tpu.memory_space<hbm>>
        tpu.wait_dma2 semaphore(%run_scoped3A : memref<!tpu.dma_semaphore, #tpu.memory_space<semaphore_mem>>) src(%dma_wait3A_98 : memref<8xi32, #tpu.memory_space<hbm>>) dst(%dma_wait3A_97 : memref<8xi32, #tpu.memory_space<vmem>>)
        tpu.yield
      }) : () -> ()
      %dma_start3A = arith.constant 0 : i32
      %dma_start3A_78 = tpu.memref_slice %arg8[%dma_start3A] : memref<16xi32, #tpu.memory_space<vmem>> -> memref<8xi32, #tpu.memory_space<vmem>>
      %dma_start3A_79 = arith.constant 0 : i32
      %dma_start3A_80 = arith.constant 0 : i32
      %dma_start3A_81 = tpu.memref_slice %arg5[%dma_start3A_79, %dma_start3A_80] : memref<33x1280xf32, #tpu.memory_space<hbm>> -> memref<33x1280xf32, #tpu.memory_space<hbm>>
      tpu.enqueue_indirect_dma source(%dma_start3A_81 : memref<33x1280xf32, #tpu.memory_space<hbm>>) target(%arg9 : memref<8x1280xf32, #tpu.memory_space<vmem>>) offsets(%dma_start3A_78 : memref<8xi32, #tpu.memory_space<vmem>>) semaphore(%arg12 : memref<!tpu.dma_semaphore, #tpu.memory_space<semaphore_mem>>)
      "tpu.region"() ({
        %run_scoped3A = tpu.sem_alloc : memref<!tpu.dma_semaphore, #tpu.memory_space<semaphore_mem>>
        %dma_start3A_87 = arith.constant 0 : i32
        %dma_start3A_88 = tpu.memref_slice %arg11[%mul3A_77, %dma_start3A_87] : memref<72x2560xf32, #tpu.memory_space<vmem_shared>> -> memref<8x1280xf32, #tpu.memory_space<vmem_shared>>
        %dma_start3A_89 = arith.constant 0 : i32
        %dma_start3A_90 = tpu.memref_slice %arg4[%mul3A_77, %dma_start3A_89] : memref<70x1280xf32, #tpu.memory_space<hbm>> -> memref<8x1280xf32, #tpu.memory_space<hbm>>
        tpu.enqueue_dma source(%dma_start3A_90 : memref<8x1280xf32, #tpu.memory_space<hbm>>) target(%dma_start3A_88 : memref<8x1280xf32, #tpu.memory_space<vmem_shared>>) target_semaphore(%run_scoped3A : memref<!tpu.dma_semaphore, #tpu.memory_space<semaphore_mem>>)
        %dma_wait3A_91 = arith.constant 0 : i32
        %dma_wait3A_92 = tpu.memref_slice %arg11[%mul3A_77, %dma_wait3A_91] : memref<72x2560xf32, #tpu.memory_space<vmem_shared>> -> memref<8x1280xf32, #tpu.memory_space<vmem_shared>>
        %dma_wait3A_93 = arith.constant 0 : i32
        %dma_wait3A_94 = tpu.memref_slice %arg4[%mul3A_77, %dma_wait3A_93] : memref<70x1280xf32, #tpu.memory_space<hbm>> -> memref<8x1280xf32, #tpu.memory_space<hbm>>
        tpu.wait_dma2 semaphore(%run_scoped3A : memref<!tpu.dma_semaphore, #tpu.memory_space<semaphore_mem>>) src(%dma_wait3A_94 : memref<8x1280xf32, #tpu.memory_space<hbm>>) dst(%dma_wait3A_92 : memref<8x1280xf32, #tpu.memory_space<vmem_shared>>)
        tpu.yield
      }) : () -> ()
      %dma_wait3A_82 = arith.constant 0 : i32
      %dma_wait3A_83 = tpu.memref_slice %arg8[%dma_wait3A_82] : memref<16xi32, #tpu.memory_space<vmem>> -> memref<8xi32, #tpu.memory_space<vmem>>
      %dma_wait3A_84 = arith.constant 0 : i32
      %dma_wait3A_85 = arith.constant 0 : i32
      %dma_wait3A_86 = tpu.memref_slice %arg5[%dma_wait3A_84, %dma_wait3A_85] : memref<33x1280xf32, #tpu.memory_space<hbm>> -> memref<33x1280xf32, #tpu.memory_space<hbm>>
      tpu.wait_indirect_dma semaphore(%arg12 : memref<!tpu.dma_semaphore, #tpu.memory_space<semaphore_mem>>) src(%dma_wait3A_86 : memref<33x1280xf32, #tpu.memory_space<hbm>>) dst(%arg9 : memref<8x1280xf32, #tpu.memory_space<vmem>>)
      "tpu.region"() ({
        %run_scoped3A = tpu.sem_alloc : memref<!tpu.dma_semaphore, #tpu.memory_space<semaphore_mem>>
        %dma_start3A_87 = arith.constant 1280 : i32
        %dma_start3A_88 = tpu.memref_slice %arg11[%mul3A_77, %dma_start3A_87] : memref<72x2560xf32, #tpu.memory_space<vmem_shared>> -> memref<8x1280xf32, #tpu.memory_space<vmem_shared>>
        %dma_start3A_89 = arith.constant 1280 : i32
        %dma_start3A_90 = tpu.memref_slice %arg11[%mul3A_77, %dma_start3A_89] : memref<72x2560xf32, #tpu.memory_space<vmem_shared>> -> memref<8x1280xf32, #tpu.memory_space<vmem_shared>>
        tpu.enqueue_dma source(%arg9 : memref<8x1280xf32, #tpu.memory_space<vmem>>) target(%dma_start3A_90 : memref<8x1280xf32, #tpu.memory_space<vmem_shared>>) target_semaphore(%run_scoped3A : memref<!tpu.dma_semaphore, #tpu.memory_space<semaphore_mem>>)
        %dma_wait3A_91 = arith.constant 1280 : i32
        %dma_wait3A_92 = tpu.memref_slice %arg11[%mul3A_77, %dma_wait3A_91] : memref<72x2560xf32, #tpu.memory_space<vmem_shared>> -> memref<8x1280xf32, #tpu.memory_space<vmem_shared>>
        %dma_wait3A_93 = arith.constant 1280 : i32
        %dma_wait3A_94 = tpu.memref_slice %arg11[%mul3A_77, %dma_wait3A_93] : memref<72x2560xf32, #tpu.memory_space<vmem_shared>> -> memref<8x1280xf32, #tpu.memory_space<vmem_shared>>
        tpu.wait_dma2 semaphore(%run_scoped3A : memref<!tpu.dma_semaphore, #tpu.memory_space<semaphore_mem>>) src(%arg9 : memref<8x1280xf32, #tpu.memory_space<vmem>>) dst(%dma_wait3A_94 : memref<8x1280xf32, #tpu.memory_space<vmem_shared>>)
        tpu.yield
      }) : () -> ()
    } else {
    }
    %eq3A_36 = arith.constant 8 : i32
    %eq3A_37 = arith.cmpi eq, %arg1, %eq3A_36 : i32
    %convert_element_type3A_38 = arith.extui %eq3A_37 : i1 to i32
    %cond3A_39 = arith.constant 0 : i32
    %cond3A_40 = arith.cmpi ne, %convert_element_type3A_38, %cond3A_39 : i32
    scf.if %cond3A_40 {
      %broadcast_in_dim3A = arith.constant 0 : i32
      %broadcast_in_dim3A_76 = vector.broadcast %broadcast_in_dim3A : i32 to vector<16xi32>
      %swap3A = arith.constant 0 : index
      %swap3A_77 = tpu.vector_load %arg8[%swap3A] {strides = array<i32>} : memref<16xi32, #tpu.memory_space<vmem>>, vector<16xi32>,
      %swap3A_78 = vector.shape_cast %swap3A_77 : vector<16xi32> to vector<16xi32>
      %swap3A_79 = vector.shape_cast %broadcast_in_dim3A_76 : vector<16xi32> to vector<16xi32>
      tpu.vector_store %arg8[%swap3A], %swap3A_79 {strides = array<i32>} : memref<16xi32, #tpu.memory_space<vmem>>, vector<16xi32>,
      "tpu.region"() ({
        %run_scoped3A = tpu.sem_alloc : memref<!tpu.dma_semaphore, #tpu.memory_space<semaphore_mem>>
        %dma_start3A_89 = arith.constant 0 : i32
        %dma_start3A_90 = tpu.memref_slice %arg8[%dma_start3A_89] : memref<16xi32, #tpu.memory_space<vmem>> -> memref<6xi32, #tpu.memory_space<vmem>>
        %dma_start3A_91 = arith.constant 64 : i32
        %dma_start3A_92 = tpu.memref_slice %arg3[%dma_start3A_91] : memref<70xi32, #tpu.memory_space<hbm>> -> memref<6xi32, #tpu.memory_space<hbm>>
        %dma_start3A_93 = arith.constant 0 : i32
        %dma_start3A_94 = tpu.memref_slice %arg8[%dma_start3A_93] : memref<16xi32, #tpu.memory_space<vmem>> -> memref<6xi32, #tpu.memory_space<vmem>>
        %dma_start3A_95 = arith.constant 64 : i32
        %dma_start3A_96 = tpu.memref_slice %arg3[%dma_start3A_95] : memref<70xi32, #tpu.memory_space<hbm>> -> memref<6xi32, #tpu.memory_space<hbm>>
        tpu.enqueue_dma source(%dma_start3A_96 : memref<6xi32, #tpu.memory_space<hbm>>) target(%dma_start3A_94 : memref<6xi32, #tpu.memory_space<vmem>>) target_semaphore(%run_scoped3A : memref<!tpu.dma_semaphore, #tpu.memory_space<semaphore_mem>>)
        %dma_wait3A_97 = arith.constant 0 : i32
        %dma_wait3A_98 = tpu.memref_slice %arg8[%dma_wait3A_97] : memref<16xi32, #tpu.memory_space<vmem>> -> memref<6xi32, #tpu.memory_space<vmem>>
        %dma_wait3A_99 = arith.constant 64 : i32
        %dma_wait3A_100 = tpu.memref_slice %arg3[%dma_wait3A_99] : memref<70xi32, #tpu.memory_space<hbm>> -> memref<6xi32, #tpu.memory_space<hbm>>
        %dma_wait3A_101 = arith.constant 0 : i32
        %dma_wait3A_102 = tpu.memref_slice %arg8[%dma_wait3A_101] : memref<16xi32, #tpu.memory_space<vmem>> -> memref<6xi32, #tpu.memory_space<vmem>>
        %dma_wait3A_103 = arith.constant 64 : i32
        %dma_wait3A_104 = tpu.memref_slice %arg3[%dma_wait3A_103] : memref<70xi32, #tpu.memory_space<hbm>> -> memref<6xi32, #tpu.memory_space<hbm>>
        tpu.wait_dma2 semaphore(%run_scoped3A : memref<!tpu.dma_semaphore, #tpu.memory_space<semaphore_mem>>) src(%dma_wait3A_104 : memref<6xi32, #tpu.memory_space<hbm>>) dst(%dma_wait3A_102 : memref<6xi32, #tpu.memory_space<vmem>>)
        tpu.yield
      }) : () -> ()
      %dma_start3A = arith.constant 0 : i32
      %dma_start3A_80 = tpu.memref_slice %arg8[%dma_start3A] : memref<16xi32, #tpu.memory_space<vmem>> -> memref<8xi32, #tpu.memory_space<vmem>>
      %dma_start3A_81 = arith.constant 0 : i32
      %dma_start3A_82 = arith.constant 0 : i32
      %dma_start3A_83 = tpu.memref_slice %arg5[%dma_start3A_81, %dma_start3A_82] : memref<33x1280xf32, #tpu.memory_space<hbm>> -> memref<33x1280xf32, #tpu.memory_space<hbm>>
      tpu.enqueue_indirect_dma source(%dma_start3A_83 : memref<33x1280xf32, #tpu.memory_space<hbm>>) target(%arg9 : memref<8x1280xf32, #tpu.memory_space<vmem>>) offsets(%dma_start3A_80 : memref<8xi32, #tpu.memory_space<vmem>>) semaphore(%arg12 : memref<!tpu.dma_semaphore, #tpu.memory_space<semaphore_mem>>)
      "tpu.region"() ({
        %run_scoped3A = tpu.sem_alloc : memref<!tpu.dma_semaphore, #tpu.memory_space<semaphore_mem>>
        %dma_start3A_89 = arith.constant 64 : i32
        %dma_start3A_90 = arith.constant 0 : i32
        %dma_start3A_91 = tpu.memref_slice %arg11[%dma_start3A_89, %dma_start3A_90] : memref<72x2560xf32, #tpu.memory_space<vmem_shared>> -> memref<6x1280xf32, #tpu.memory_space<vmem_shared>>
        %dma_start3A_92 = arith.constant 64 : i32
        %dma_start3A_93 = arith.constant 0 : i32
        %dma_start3A_94 = tpu.memref_slice %arg4[%dma_start3A_92, %dma_start3A_93] : memref<70x1280xf32, #tpu.memory_space<hbm>> -> memref<6x1280xf32, #tpu.memory_space<hbm>>
        tpu.enqueue_dma source(%dma_start3A_94 : memref<6x1280xf32, #tpu.memory_space<hbm>>) target(%dma_start3A_91 : memref<6x1280xf32, #tpu.memory_space<vmem_shared>>) target_semaphore(%run_scoped3A : memref<!tpu.dma_semaphore, #tpu.memory_space<semaphore_mem>>)
        %dma_wait3A_95 = arith.constant 64 : i32
        %dma_wait3A_96 = arith.constant 0 : i32
        %dma_wait3A_97 = tpu.memref_slice %arg11[%dma_wait3A_95, %dma_wait3A_96] : memref<72x2560xf32, #tpu.memory_space<vmem_shared>> -> memref<6x1280xf32, #tpu.memory_space<vmem_shared>>
        %dma_wait3A_98 = arith.constant 64 : i32
        %dma_wait3A_99 = arith.constant 0 : i32
        %dma_wait3A_100 = tpu.memref_slice %arg4[%dma_wait3A_98, %dma_wait3A_99] : memref<70x1280xf32, #tpu.memory_space<hbm>> -> memref<6x1280xf32, #tpu.memory_space<hbm>>
        tpu.wait_dma2 semaphore(%run_scoped3A : memref<!tpu.dma_semaphore, #tpu.memory_space<semaphore_mem>>) src(%dma_wait3A_100 : memref<6x1280xf32, #tpu.memory_space<hbm>>) dst(%dma_wait3A_97 : memref<6x1280xf32, #tpu.memory_space<vmem_shared>>)
        tpu.yield
      }) : () -> ()
      %dma_wait3A_84 = arith.constant 0 : i32
      %dma_wait3A_85 = tpu.memref_slice %arg8[%dma_wait3A_84] : memref<16xi32, #tpu.memory_space<vmem>> -> memref<8xi32, #tpu.memory_space<vmem>>
      %dma_wait3A_86 = arith.constant 0 : i32
      %dma_wait3A_87 = arith.constant 0 : i32
      %dma_wait3A_88 = tpu.memref_slice %arg5[%dma_wait3A_86, %dma_wait3A_87] : memref<33x1280xf32, #tpu.memory_space<hbm>> -> memref<33x1280xf32, #tpu.memory_space<hbm>>
      tpu.wait_indirect_dma semaphore(%arg12 : memref<!tpu.dma_semaphore, #tpu.memory_space<semaphore_mem>>) src(%dma_wait3A_88 : memref<33x1280xf32, #tpu.memory_space<hbm>>) dst(%arg9 : memref<8x1280xf32, #tpu.memory_space<vmem>>)
      "tpu.region"() ({
        %run_scoped3A = tpu.sem_alloc : memref<!tpu.dma_semaphore, #tpu.memory_space<semaphore_mem>>
        %dma_start3A_89 = arith.constant 64 : i32
        %dma_start3A_90 = arith.constant 1280 : i32
        %dma_start3A_91 = tpu.memref_slice %arg11[%dma_start3A_89, %dma_start3A_90] : memref<72x2560xf32, #tpu.memory_space<vmem_shared>> -> memref<8x1280xf32, #tpu.memory_space<vmem_shared>>
        %dma_start3A_92 = arith.constant 64 : i32
        %dma_start3A_93 = arith.constant 1280 : i32
        %dma_start3A_94 = tpu.memref_slice %arg11[%dma_start3A_92, %dma_start3A_93] : memref<72x2560xf32, #tpu.memory_space<vmem_shared>> -> memref<8x1280xf32, #tpu.memory_space<vmem_shared>>
        tpu.enqueue_dma source(%arg9 : memref<8x1280xf32, #tpu.memory_space<vmem>>) target(%dma_start3A_94 : memref<8x1280xf32, #tpu.memory_space<vmem_shared>>) target_semaphore(%run_scoped3A : memref<!tpu.dma_semaphore, #tpu.memory_space<semaphore_mem>>)
        %dma_wait3A_95 = arith.constant 64 : i32
        %dma_wait3A_96 = arith.constant 1280 : i32
        %dma_wait3A_97 = tpu.memref_slice %arg11[%dma_wait3A_95, %dma_wait3A_96] : memref<72x2560xf32, #tpu.memory_space<vmem_shared>> -> memref<8x1280xf32, #tpu.memory_space<vmem_shared>>
        %dma_wait3A_98 = arith.constant 64 : i32
        %dma_wait3A_99 = arith.constant 1280 : i32
        %dma_wait3A_100 = tpu.memref_slice %arg11[%dma_wait3A_98, %dma_wait3A_99] : memref<72x2560xf32, #tpu.memory_space<vmem_shared>> -> memref<8x1280xf32, #tpu.memory_space<vmem_shared>>
        tpu.wait_dma2 semaphore(%run_scoped3A : memref<!tpu.dma_semaphore, #tpu.memory_space<semaphore_mem>>) src(%arg9 : memref<8x1280xf32, #tpu.memory_space<vmem>>) dst(%dma_wait3A_100 : memref<8x1280xf32, #tpu.memory_space<vmem_shared>>)
        tpu.yield
      }) : () -> ()
    } else {
    }
    %barrier3A = arith.constant 0 : index
    tpu.barrier barrier_id(%barrier3A)
    %scan3A = arith.constant 0 : i32
    %scan3A_41 = arith.constant 0 : i32
    %scan3A_42 = arith.constant 16 : i32
    %scan3A_43 = arith.addi %scan3A_41, %scan3A_42 : i32
    %scan3A_44 = arith.constant 1 : i32
    %scan3A_45 = scf.for %scan3A_76 = %scan3A_41 to %scan3A_43 step %scan3A_44 iter_args(%scan3A_77 = %scan3A) -> (i32)  : i32 {
      %rem3A_78 = arith.constant 2 : i32
      %rem3A_79 = arith.remsi %scan3A_76, %rem3A_78 : i32
      %ge3A = arith.constant 2 : i32
      %ge3A_80 = arith.cmpi sge, %scan3A_76, %ge3A : i32
      %convert_element_type3A_81 = arith.extui %ge3A_80 : i1 to i32
      %cond3A_82 = arith.constant 0 : i32
      %cond3A_83 = arith.cmpi ne, %convert_element_type3A_81, %cond3A_82 : i32
      scf.if %cond3A_83 {
        %dma_wait3A_519 = arith.constant 0 : i32
        %dma_wait3A_520 = arith.constant 0 : i32
        %dma_wait3A_521 = arith.constant 0 : i32
        %dma_wait3A_522 = tpu.memref_slice %arg10[%dma_wait3A_519, %dma_wait3A_520, %dma_wait3A_521] : memref<2x16x2560xf32, #tpu.memory_space<vmem>> -> memref<1x16x2560xf32, #tpu.memory_space<vmem>>
        %dma_wait3A_523 = tpu.memref_squeeze %dma_wait3A_522 : memref<1x16x2560xf32, #tpu.memory_space<vmem>> -> memref<16x2560xf32, #tpu.memory_space<vmem>>
        %dma_wait3A_524 = arith.constant 0 : i32
        %dma_wait3A_525 = tpu.memref_slice %arg6[%select_n3A, %mul3A_32, %dma_wait3A_524] : memref<4x2048x2560xf32, #tpu.memory_space<hbm>> -> memref<1x16x2560xf32, #tpu.memory_space<hbm>>
        %dma_wait3A_526 = tpu.memref_squeeze %dma_wait3A_525 : memref<1x16x2560xf32, #tpu.memory_space<hbm>> -> memref<16x2560xf32, #tpu.memory_space<hbm>>
        %dma_wait3A_527 = arith.constant 0 : i32
        %dma_wait3A_528 = tpu.memref_slice %arg6[%select_n3A, %mul3A_32, %dma_wait3A_527] : memref<4x2048x2560xf32, #tpu.memory_space<hbm>> -> memref<1x16x2560xf32, #tpu.memory_space<hbm>>
        %dma_wait3A_529 = tpu.memref_squeeze %dma_wait3A_528 : memref<1x16x2560xf32, #tpu.memory_space<hbm>> -> memref<16x2560xf32, #tpu.memory_space<hbm>>
        %dma_wait3A_530 = arith.constant 0 : i32
        %dma_wait3A_531 = arith.constant 0 : i32
        %dma_wait3A_532 = tpu.memref_slice %arg10[%dma_wait3A_519, %dma_wait3A_530, %dma_wait3A_531] : memref<2x16x2560xf32, #tpu.memory_space<vmem>> -> memref<1x16x2560xf32, #tpu.memory_space<vmem>>
        %dma_wait3A_533 = tpu.memref_squeeze %dma_wait3A_532 : memref<1x16x2560xf32, #tpu.memory_space<vmem>> -> memref<16x2560xf32, #tpu.memory_space<vmem>>
        tpu.wait_dma2 semaphore(%arg13 : memref<!tpu.dma_semaphore, #tpu.memory_space<semaphore_mem>>) src(%dma_wait3A_533 : memref<16x2560xf32, #tpu.memory_space<vmem>>) dst(%dma_wait3A_529 : memref<16x2560xf32, #tpu.memory_space<hbm>>)
      } else {
      }
      %mul3A_84 = arith.constant 16 : i32
      %mul3A_85 = arith.muli %scan3A_76, %mul3A_84 : i32
      %get3A = arith.index_cast %mul3A_85 : i32 to index
      %get3A_86 = tpu.vector_load %arg7[%get3A] {strides = array<i32>} : memref<256xi32, #tpu.memory_space<vmem>>, vector<16xi32>,
      %get3A_87 = vector.shape_cast %get3A_86 : vector<16xi32> to vector<16xi32>
      %slice3A = vector.extract_strided_slice %get3A_87 {offsets = [0], sizes = [1], strides = [1]} : vector<16xi32> to vector<1xi32>
      %squeeze3A = vector.extract %slice3A[0] : i32 from vector<1xi32>
      %dma_start3A = arith.constant 0 : i32
      %dma_start3A_88 = arith.constant 0 : i32
      %dma_start3A_89 = tpu.memref_slice %arg10[%rem3A_79, %dma_start3A, %dma_start3A_88] : memref<2x16x2560xf32, #tpu.memory_space<vmem>> -> memref<1x1x2560xf32, #tpu.memory_space<vmem>>
      %dma_start3A_90 = tpu.memref_squeeze %dma_start3A_89 : memref<1x1x2560xf32, #tpu.memory_space<vmem>> -> memref<1x2560xf32, #tpu.memory_space<vmem>>
      %dma_start3A_91 = arith.constant 0 : i32
      %dma_start3A_92 = tpu.memref_slice %arg11[%squeeze3A, %dma_start3A_91] : memref<72x2560xf32, #tpu.memory_space<vmem_shared>> -> memref<1x2560xf32, #tpu.memory_space<vmem_shared>>
      %dma_start3A_93 = arith.constant 0 : i32
      %dma_start3A_94 = arith.constant 0 : i32
      %dma_start3A_95 = tpu.memref_slice %arg10[%rem3A_79, %dma_start3A_93, %dma_start3A_94] : memref<2x16x2560xf32, #tpu.memory_space<vmem>> -> memref<1x1x2560xf32, #tpu.memory_space<vmem>>
      %dma_start3A_96 = tpu.memref_squeeze %dma_start3A_95 : memref<1x1x2560xf32, #tpu.memory_space<vmem>> -> memref<1x2560xf32, #tpu.memory_space<vmem>>
      %dma_start3A_97 = arith.constant 0 : i32
      %dma_start3A_98 = tpu.memref_slice %arg11[%squeeze3A, %dma_start3A_97] : memref<72x2560xf32, #tpu.memory_space<vmem_shared>> -> memref<1x2560xf32, #tpu.memory_space<vmem_shared>>
      tpu.enqueue_dma source(%dma_start3A_98 : memref<1x2560xf32, #tpu.memory_space<vmem_shared>>) target(%dma_start3A_96 : memref<1x2560xf32, #tpu.memory_space<vmem>>) target_semaphore(%arg12 : memref<!tpu.dma_semaphore, #tpu.memory_space<semaphore_mem>>)
      %slice3A_99 = vector.extract_strided_slice %get3A_87 {offsets = [1], sizes = [1], strides = [1]} : vector<16xi32> to vector<1xi32>
      %squeeze3A_100 = vector.extract %slice3A_99[0] : i32 from vector<1xi32>
      %dma_start3A_101 = arith.constant 1 : i32
      %dma_start3A_102 = arith.constant 0 : i32
      %dma_start3A_103 = tpu.memref_slice %arg10[%rem3A_79, %dma_start3A_101, %dma_start3A_102] : memref<2x16x2560xf32, #tpu.memory_space<vmem>> -> memref<1x1x2560xf32, #tpu.memory_space<vmem>>
      %dma_start3A_104 = tpu.memref_squeeze %dma_start3A_103 : memref<1x1x2560xf32, #tpu.memory_space<vmem>> -> memref<1x2560xf32, #tpu.memory_space<vmem>>
      %dma_start3A_105 = arith.constant 0 : i32
      %dma_start3A_106 = tpu.memref_slice %arg11[%squeeze3A_100, %dma_start3A_105] : memref<72x2560xf32, #tpu.memory_space<vmem_shared>> -> memref<1x2560xf32, #tpu.memory_space<vmem_shared>>
      %dma_start3A_107 = arith.constant 1 : i32
      %dma_start3A_108 = arith.constant 0 : i32
      %dma_start3A_109 = tpu.memref_slice %arg10[%rem3A_79, %dma_start3A_107, %dma_start3A_108] : memref<2x16x2560xf32, #tpu.memory_space<vmem>> -> memref<1x1x2560xf32, #tpu.memory_space<vmem>>
      %dma_start3A_110 = tpu.memref_squeeze %dma_start3A_109 : memref<1x1x2560xf32, #tpu.memory_space<vmem>> -> memref<1x2560xf32, #tpu.memory_space<vmem>>
      %dma_start3A_111 = arith.constant 0 : i32
      %dma_start3A_112 = tpu.memref_slice %arg11[%squeeze3A_100, %dma_start3A_111] : memref<72x2560xf32, #tpu.memory_space<vmem_shared>> -> memref<1x2560xf32, #tpu.memory_space<vmem_shared>>
      tpu.enqueue_dma source(%dma_start3A_112 : memref<1x2560xf32, #tpu.memory_space<vmem_shared>>) target(%dma_start3A_110 : memref<1x2560xf32, #tpu.memory_space<vmem>>) target_semaphore(%arg12 : memref<!tpu.dma_semaphore, #tpu.memory_space<semaphore_mem>>)
      %slice3A_113 = vector.extract_strided_slice %get3A_87 {offsets = [2], sizes = [1], strides = [1]} : vector<16xi32> to vector<1xi32>
      %squeeze3A_114 = vector.extract %slice3A_113[0] : i32 from vector<1xi32>
      %dma_start3A_115 = arith.constant 2 : i32
      %dma_start3A_116 = arith.constant 0 : i32
      %dma_start3A_117 = tpu.memref_slice %arg10[%rem3A_79, %dma_start3A_115, %dma_start3A_116] : memref<2x16x2560xf32, #tpu.memory_space<vmem>> -> memref<1x1x2560xf32, #tpu.memory_space<vmem>>
      %dma_start3A_118 = tpu.memref_squeeze %dma_start3A_117 : memref<1x1x2560xf32, #tpu.memory_space<vmem>> -> memref<1x2560xf32, #tpu.memory_space<vmem>>
      %dma_start3A_119 = arith.constant 0 : i32
      %dma_start3A_120 = tpu.memref_slice %arg11[%squeeze3A_114, %dma_start3A_119] : memref<72x2560xf32, #tpu.memory_space<vmem_shared>> -> memref<1x2560xf32, #tpu.memory_space<vmem_shared>>
      %dma_start3A_121 = arith.constant 2 : i32
      %dma_start3A_122 = arith.constant 0 : i32
      %dma_start3A_123 = tpu.memref_slice %arg10[%rem3A_79, %dma_start3A_121, %dma_start3A_122] : memref<2x16x2560xf32, #tpu.memory_space<vmem>> -> memref<1x1x2560xf32, #tpu.memory_space<vmem>>
      %dma_start3A_124 = tpu.memref_squeeze %dma_start3A_123 : memref<1x1x2560xf32, #tpu.memory_space<vmem>> -> memref<1x2560xf32, #tpu.memory_space<vmem>>
      %dma_start3A_125 = arith.constant 0 : i32
      %dma_start3A_126 = tpu.memref_slice %arg11[%squeeze3A_114, %dma_start3A_125] : memref<72x2560xf32, #tpu.memory_space<vmem_shared>> -> memref<1x2560xf32, #tpu.memory_space<vmem_shared>>
      tpu.enqueue_dma source(%dma_start3A_126 : memref<1x2560xf32, #tpu.memory_space<vmem_shared>>) target(%dma_start3A_124 : memref<1x2560xf32, #tpu.memory_space<vmem>>) target_semaphore(%arg12 : memref<!tpu.dma_semaphore, #tpu.memory_space<semaphore_mem>>)
      %slice3A_127 = vector.extract_strided_slice %get3A_87 {offsets = [3], sizes = [1], strides = [1]} : vector<16xi32> to vector<1xi32>
      %squeeze3A_128 = vector.extract %slice3A_127[0] : i32 from vector<1xi32>
      %dma_start3A_129 = arith.constant 3 : i32
      %dma_start3A_130 = arith.constant 0 : i32
      %dma_start3A_131 = tpu.memref_slice %arg10[%rem3A_79, %dma_start3A_129, %dma_start3A_130] : memref<2x16x2560xf32, #tpu.memory_space<vmem>> -> memref<1x1x2560xf32, #tpu.memory_space<vmem>>
      %dma_start3A_132 = tpu.memref_squeeze %dma_start3A_131 : memref<1x1x2560xf32, #tpu.memory_space<vmem>> -> memref<1x2560xf32, #tpu.memory_space<vmem>>
      %dma_start3A_133 = arith.constant 0 : i32
      %dma_start3A_134 = tpu.memref_slice %arg11[%squeeze3A_128, %dma_start3A_133] : memref<72x2560xf32, #tpu.memory_space<vmem_shared>> -> memref<1x2560xf32, #tpu.memory_space<vmem_shared>>
      %dma_start3A_135 = arith.constant 3 : i32
      %dma_start3A_136 = arith.constant 0 : i32
      %dma_start3A_137 = tpu.memref_slice %arg10[%rem3A_79, %dma_start3A_135, %dma_start3A_136] : memref<2x16x2560xf32, #tpu.memory_space<vmem>> -> memref<1x1x2560xf32, #tpu.memory_space<vmem>>
      %dma_start3A_138 = tpu.memref_squeeze %dma_start3A_137 : memref<1x1x2560xf32, #tpu.memory_space<vmem>> -> memref<1x2560xf32, #tpu.memory_space<vmem>>
      %dma_start3A_139 = arith.constant 0 : i32
      %dma_start3A_140 = tpu.memref_slice %arg11[%squeeze3A_128, %dma_start3A_139] : memref<72x2560xf32, #tpu.memory_space<vmem_shared>> -> memref<1x2560xf32, #tpu.memory_space<vmem_shared>>
      tpu.enqueue_dma source(%dma_start3A_140 : memref<1x2560xf32, #tpu.memory_space<vmem_shared>>) target(%dma_start3A_138 : memref<1x2560xf32, #tpu.memory_space<vmem>>) target_semaphore(%arg12 : memref<!tpu.dma_semaphore, #tpu.memory_space<semaphore_mem>>)
      %slice3A_141 = vector.extract_strided_slice %get3A_87 {offsets = [4], sizes = [1], strides = [1]} : vector<16xi32> to vector<1xi32>
      %squeeze3A_142 = vector.extract %slice3A_141[0] : i32 from vector<1xi32>
      %dma_start3A_143 = arith.constant 4 : i32
      %dma_start3A_144 = arith.constant 0 : i32
      %dma_start3A_145 = tpu.memref_slice %arg10[%rem3A_79, %dma_start3A_143, %dma_start3A_144] : memref<2x16x2560xf32, #tpu.memory_space<vmem>> -> memref<1x1x2560xf32, #tpu.memory_space<vmem>>
      %dma_start3A_146 = tpu.memref_squeeze %dma_start3A_145 : memref<1x1x2560xf32, #tpu.memory_space<vmem>> -> memref<1x2560xf32, #tpu.memory_space<vmem>>
      %dma_start3A_147 = arith.constant 0 : i32
      %dma_start3A_148 = tpu.memref_slice %arg11[%squeeze3A_142, %dma_start3A_147] : memref<72x2560xf32, #tpu.memory_space<vmem_shared>> -> memref<1x2560xf32, #tpu.memory_space<vmem_shared>>
      %dma_start3A_149 = arith.constant 4 : i32
      %dma_start3A_150 = arith.constant 0 : i32
      %dma_start3A_151 = tpu.memref_slice %arg10[%rem3A_79, %dma_start3A_149, %dma_start3A_150] : memref<2x16x2560xf32, #tpu.memory_space<vmem>> -> memref<1x1x2560xf32, #tpu.memory_space<vmem>>
      %dma_start3A_152 = tpu.memref_squeeze %dma_start3A_151 : memref<1x1x2560xf32, #tpu.memory_space<vmem>> -> memref<1x2560xf32, #tpu.memory_space<vmem>>
      %dma_start3A_153 = arith.constant 0 : i32
      %dma_start3A_154 = tpu.memref_slice %arg11[%squeeze3A_142, %dma_start3A_153] : memref<72x2560xf32, #tpu.memory_space<vmem_shared>> -> memref<1x2560xf32, #tpu.memory_space<vmem_shared>>
      tpu.enqueue_dma source(%dma_start3A_154 : memref<1x2560xf32, #tpu.memory_space<vmem_shared>>) target(%dma_start3A_152 : memref<1x2560xf32, #tpu.memory_space<vmem>>) target_semaphore(%arg12 : memref<!tpu.dma_semaphore, #tpu.memory_space<semaphore_mem>>)
      %slice3A_155 = vector.extract_strided_slice %get3A_87 {offsets = [5], sizes = [1], strides = [1]} : vector<16xi32> to vector<1xi32>
      %squeeze3A_156 = vector.extract %slice3A_155[0] : i32 from vector<1xi32>
      %dma_start3A_157 = arith.constant 5 : i32
      %dma_start3A_158 = arith.constant 0 : i32
      %dma_start3A_159 = tpu.memref_slice %arg10[%rem3A_79, %dma_start3A_157, %dma_start3A_158] : memref<2x16x2560xf32, #tpu.memory_space<vmem>> -> memref<1x1x2560xf32, #tpu.memory_space<vmem>>
      %dma_start3A_160 = tpu.memref_squeeze %dma_start3A_159 : memref<1x1x2560xf32, #tpu.memory_space<vmem>> -> memref<1x2560xf32, #tpu.memory_space<vmem>>
      %dma_start3A_161 = arith.constant 0 : i32
      %dma_start3A_162 = tpu.memref_slice %arg11[%squeeze3A_156, %dma_start3A_161] : memref<72x2560xf32, #tpu.memory_space<vmem_shared>> -> memref<1x2560xf32, #tpu.memory_space<vmem_shared>>
      %dma_start3A_163 = arith.constant 5 : i32
      %dma_start3A_164 = arith.constant 0 : i32
      %dma_start3A_165 = tpu.memref_slice %arg10[%rem3A_79, %dma_start3A_163, %dma_start3A_164] : memref<2x16x2560xf32, #tpu.memory_space<vmem>> -> memref<1x1x2560xf32, #tpu.memory_space<vmem>>
      %dma_start3A_166 = tpu.memref_squeeze %dma_start3A_165 : memref<1x1x2560xf32, #tpu.memory_space<vmem>> -> memref<1x2560xf32, #tpu.memory_space<vmem>>
      %dma_start3A_167 = arith.constant 0 : i32
      %dma_start3A_168 = tpu.memref_slice %arg11[%squeeze3A_156, %dma_start3A_167] : memref<72x2560xf32, #tpu.memory_space<vmem_shared>> -> memref<1x2560xf32, #tpu.memory_space<vmem_shared>>
      tpu.enqueue_dma source(%dma_start3A_168 : memref<1x2560xf32, #tpu.memory_space<vmem_shared>>) target(%dma_start3A_166 : memref<1x2560xf32, #tpu.memory_space<vmem>>) target_semaphore(%arg12 : memref<!tpu.dma_semaphore, #tpu.memory_space<semaphore_mem>>)
      %slice3A_169 = vector.extract_strided_slice %get3A_87 {offsets = [6], sizes = [1], strides = [1]} : vector<16xi32> to vector<1xi32>
      %squeeze3A_170 = vector.extract %slice3A_169[0] : i32 from vector<1xi32>
      %dma_start3A_171 = arith.constant 6 : i32
      %dma_start3A_172 = arith.constant 0 : i32
      %dma_start3A_173 = tpu.memref_slice %arg10[%rem3A_79, %dma_start3A_171, %dma_start3A_172] : memref<2x16x2560xf32, #tpu.memory_space<vmem>> -> memref<1x1x2560xf32, #tpu.memory_space<vmem>>
      %dma_start3A_174 = tpu.memref_squeeze %dma_start3A_173 : memref<1x1x2560xf32, #tpu.memory_space<vmem>> -> memref<1x2560xf32, #tpu.memory_space<vmem>>
      %dma_start3A_175 = arith.constant 0 : i32
      %dma_start3A_176 = tpu.memref_slice %arg11[%squeeze3A_170, %dma_start3A_175] : memref<72x2560xf32, #tpu.memory_space<vmem_shared>> -> memref<1x2560xf32, #tpu.memory_space<vmem_shared>>
      %dma_start3A_177 = arith.constant 6 : i32
      %dma_start3A_178 = arith.constant 0 : i32
      %dma_start3A_179 = tpu.memref_slice %arg10[%rem3A_79, %dma_start3A_177, %dma_start3A_178] : memref<2x16x2560xf32, #tpu.memory_space<vmem>> -> memref<1x1x2560xf32, #tpu.memory_space<vmem>>
      %dma_start3A_180 = tpu.memref_squeeze %dma_start3A_179 : memref<1x1x2560xf32, #tpu.memory_space<vmem>> -> memref<1x2560xf32, #tpu.memory_space<vmem>>
      %dma_start3A_181 = arith.constant 0 : i32
      %dma_start3A_182 = tpu.memref_slice %arg11[%squeeze3A_170, %dma_start3A_181] : memref<72x2560xf32, #tpu.memory_space<vmem_shared>> -> memref<1x2560xf32, #tpu.memory_space<vmem_shared>>
      tpu.enqueue_dma source(%dma_start3A_182 : memref<1x2560xf32, #tpu.memory_space<vmem_shared>>) target(%dma_start3A_180 : memref<1x2560xf32, #tpu.memory_space<vmem>>) target_semaphore(%arg12 : memref<!tpu.dma_semaphore, #tpu.memory_space<semaphore_mem>>)
      %slice3A_183 = vector.extract_strided_slice %get3A_87 {offsets = [7], sizes = [1], strides = [1]} : vector<16xi32> to vector<1xi32>
      %squeeze3A_184 = vector.extract %slice3A_183[0] : i32 from vector<1xi32>
      %dma_start3A_185 = arith.constant 7 : i32
      %dma_start3A_186 = arith.constant 0 : i32
      %dma_start3A_187 = tpu.memref_slice %arg10[%rem3A_79, %dma_start3A_185, %dma_start3A_186] : memref<2x16x2560xf32, #tpu.memory_space<vmem>> -> memref<1x1x2560xf32, #tpu.memory_space<vmem>>
      %dma_start3A_188 = tpu.memref_squeeze %dma_start3A_187 : memref<1x1x2560xf32, #tpu.memory_space<vmem>> -> memref<1x2560xf32, #tpu.memory_space<vmem>>
      %dma_start3A_189 = arith.constant 0 : i32
      %dma_start3A_190 = tpu.memref_slice %arg11[%squeeze3A_184, %dma_start3A_189] : memref<72x2560xf32, #tpu.memory_space<vmem_shared>> -> memref<1x2560xf32, #tpu.memory_space<vmem_shared>>
      %dma_start3A_191 = arith.constant 7 : i32
      %dma_start3A_192 = arith.constant 0 : i32
      %dma_start3A_193 = tpu.memref_slice %arg10[%rem3A_79, %dma_start3A_191, %dma_start3A_192] : memref<2x16x2560xf32, #tpu.memory_space<vmem>> -> memref<1x1x2560xf32, #tpu.memory_space<vmem>>
      %dma_start3A_194 = tpu.memref_squeeze %dma_start3A_193 : memref<1x1x2560xf32, #tpu.memory_space<vmem>> -> memref<1x2560xf32, #tpu.memory_space<vmem>>
      %dma_start3A_195 = arith.constant 0 : i32
      %dma_start3A_196 = tpu.memref_slice %arg11[%squeeze3A_184, %dma_start3A_195] : memref<72x2560xf32, #tpu.memory_space<vmem_shared>> -> memref<1x2560xf32, #tpu.memory_space<vmem_shared>>
      tpu.enqueue_dma source(%dma_start3A_196 : memref<1x2560xf32, #tpu.memory_space<vmem_shared>>) target(%dma_start3A_194 : memref<1x2560xf32, #tpu.memory_space<vmem>>) target_semaphore(%arg12 : memref<!tpu.dma_semaphore, #tpu.memory_space<semaphore_mem>>)
      %slice3A_197 = vector.extract_strided_slice %get3A_87 {offsets = [8], sizes = [1], strides = [1]} : vector<16xi32> to vector<1xi32>
      %squeeze3A_198 = vector.extract %slice3A_197[0] : i32 from vector<1xi32>
      %dma_start3A_199 = arith.constant 8 : i32
      %dma_start3A_200 = arith.constant 0 : i32
      %dma_start3A_201 = tpu.memref_slice %arg10[%rem3A_79, %dma_start3A_199, %dma_start3A_200] : memref<2x16x2560xf32, #tpu.memory_space<vmem>> -> memref<1x1x2560xf32, #tpu.memory_space<vmem>>
      %dma_start3A_202 = tpu.memref_squeeze %dma_start3A_201 : memref<1x1x2560xf32, #tpu.memory_space<vmem>> -> memref<1x2560xf32, #tpu.memory_space<vmem>>
      %dma_start3A_203 = arith.constant 0 : i32
      %dma_start3A_204 = tpu.memref_slice %arg11[%squeeze3A_198, %dma_start3A_203] : memref<72x2560xf32, #tpu.memory_space<vmem_shared>> -> memref<1x2560xf32, #tpu.memory_space<vmem_shared>>
      %dma_start3A_205 = arith.constant 8 : i32
      %dma_start3A_206 = arith.constant 0 : i32
      %dma_start3A_207 = tpu.memref_slice %arg10[%rem3A_79, %dma_start3A_205, %dma_start3A_206] : memref<2x16x2560xf32, #tpu.memory_space<vmem>> -> memref<1x1x2560xf32, #tpu.memory_space<vmem>>
      %dma_start3A_208 = tpu.memref_squeeze %dma_start3A_207 : memref<1x1x2560xf32, #tpu.memory_space<vmem>> -> memref<1x2560xf32, #tpu.memory_space<vmem>>
      %dma_start3A_209 = arith.constant 0 : i32
      %dma_start3A_210 = tpu.memref_slice %arg11[%squeeze3A_198, %dma_start3A_209] : memref<72x2560xf32, #tpu.memory_space<vmem_shared>> -> memref<1x2560xf32, #tpu.memory_space<vmem_shared>>
      tpu.enqueue_dma source(%dma_start3A_210 : memref<1x2560xf32, #tpu.memory_space<vmem_shared>>) target(%dma_start3A_208 : memref<1x2560xf32, #tpu.memory_space<vmem>>) target_semaphore(%arg12 : memref<!tpu.dma_semaphore, #tpu.memory_space<semaphore_mem>>)
      %slice3A_211 = vector.extract_strided_slice %get3A_87 {offsets = [9], sizes = [1], strides = [1]} : vector<16xi32> to vector<1xi32>
      %squeeze3A_212 = vector.extract %slice3A_211[0] : i32 from vector<1xi32>
      %dma_start3A_213 = arith.constant 9 : i32
      %dma_start3A_214 = arith.constant 0 : i32
      %dma_start3A_215 = tpu.memref_slice %arg10[%rem3A_79, %dma_start3A_213, %dma_start3A_214] : memref<2x16x2560xf32, #tpu.memory_space<vmem>> -> memref<1x1x2560xf32, #tpu.memory_space<vmem>>
      %dma_start3A_216 = tpu.memref_squeeze %dma_start3A_215 : memref<1x1x2560xf32, #tpu.memory_space<vmem>> -> memref<1x2560xf32, #tpu.memory_space<vmem>>
      %dma_start3A_217 = arith.constant 0 : i32
      %dma_start3A_218 = tpu.memref_slice %arg11[%squeeze3A_212, %dma_start3A_217] : memref<72x2560xf32, #tpu.memory_space<vmem_shared>> -> memref<1x2560xf32, #tpu.memory_space<vmem_shared>>
      %dma_start3A_219 = arith.constant 9 : i32
      %dma_start3A_220 = arith.constant 0 : i32
      %dma_start3A_221 = tpu.memref_slice %arg10[%rem3A_79, %dma_start3A_219, %dma_start3A_220] : memref<2x16x2560xf32, #tpu.memory_space<vmem>> -> memref<1x1x2560xf32, #tpu.memory_space<vmem>>
      %dma_start3A_222 = tpu.memref_squeeze %dma_start3A_221 : memref<1x1x2560xf32, #tpu.memory_space<vmem>> -> memref<1x2560xf32, #tpu.memory_space<vmem>>
      %dma_start3A_223 = arith.constant 0 : i32
      %dma_start3A_224 = tpu.memref_slice %arg11[%squeeze3A_212, %dma_start3A_223] : memref<72x2560xf32, #tpu.memory_space<vmem_shared>> -> memref<1x2560xf32, #tpu.memory_space<vmem_shared>>
      tpu.enqueue_dma source(%dma_start3A_224 : memref<1x2560xf32, #tpu.memory_space<vmem_shared>>) target(%dma_start3A_222 : memref<1x2560xf32, #tpu.memory_space<vmem>>) target_semaphore(%arg12 : memref<!tpu.dma_semaphore, #tpu.memory_space<semaphore_mem>>)
      %slice3A_225 = vector.extract_strided_slice %get3A_87 {offsets = [10], sizes = [1], strides = [1]} : vector<16xi32> to vector<1xi32>
      %squeeze3A_226 = vector.extract %slice3A_225[0] : i32 from vector<1xi32>
      %dma_start3A_227 = arith.constant 10 : i32
      %dma_start3A_228 = arith.constant 0 : i32
      %dma_start3A_229 = tpu.memref_slice %arg10[%rem3A_79, %dma_start3A_227, %dma_start3A_228] : memref<2x16x2560xf32, #tpu.memory_space<vmem>> -> memref<1x1x2560xf32, #tpu.memory_space<vmem>>
      %dma_start3A_230 = tpu.memref_squeeze %dma_start3A_229 : memref<1x1x2560xf32, #tpu.memory_space<vmem>> -> memref<1x2560xf32, #tpu.memory_space<vmem>>
      %dma_start3A_231 = arith.constant 0 : i32
      %dma_start3A_232 = tpu.memref_slice %arg11[%squeeze3A_226, %dma_start3A_231] : memref<72x2560xf32, #tpu.memory_space<vmem_shared>> -> memref<1x2560xf32, #tpu.memory_space<vmem_shared>>
      %dma_start3A_233 = arith.constant 10 : i32
      %dma_start3A_234 = arith.constant 0 : i32
      %dma_start3A_235 = tpu.memref_slice %arg10[%rem3A_79, %dma_start3A_233, %dma_start3A_234] : memref<2x16x2560xf32, #tpu.memory_space<vmem>> -> memref<1x1x2560xf32, #tpu.memory_space<vmem>>
      %dma_start3A_236 = tpu.memref_squeeze %dma_start3A_235 : memref<1x1x2560xf32, #tpu.memory_space<vmem>> -> memref<1x2560xf32, #tpu.memory_space<vmem>>
      %dma_start3A_237 = arith.constant 0 : i32
      %dma_start3A_238 = tpu.memref_slice %arg11[%squeeze3A_226, %dma_start3A_237] : memref<72x2560xf32, #tpu.memory_space<vmem_shared>> -> memref<1x2560xf32, #tpu.memory_space<vmem_shared>>
      tpu.enqueue_dma source(%dma_start3A_238 : memref<1x2560xf32, #tpu.memory_space<vmem_shared>>) target(%dma_start3A_236 : memref<1x2560xf32, #tpu.memory_space<vmem>>) target_semaphore(%arg12 : memref<!tpu.dma_semaphore, #tpu.memory_space<semaphore_mem>>)
      %slice3A_239 = vector.extract_strided_slice %get3A_87 {offsets = [11], sizes = [1], strides = [1]} : vector<16xi32> to vector<1xi32>
      %squeeze3A_240 = vector.extract %slice3A_239[0] : i32 from vector<1xi32>
      %dma_start3A_241 = arith.constant 11 : i32
      %dma_start3A_242 = arith.constant 0 : i32
      %dma_start3A_243 = tpu.memref_slice %arg10[%rem3A_79, %dma_start3A_241, %dma_start3A_242] : memref<2x16x2560xf32, #tpu.memory_space<vmem>> -> memref<1x1x2560xf32, #tpu.memory_space<vmem>>
      %dma_start3A_244 = tpu.memref_squeeze %dma_start3A_243 : memref<1x1x2560xf32, #tpu.memory_space<vmem>> -> memref<1x2560xf32, #tpu.memory_space<vmem>>
      %dma_start3A_245 = arith.constant 0 : i32
      %dma_start3A_246 = tpu.memref_slice %arg11[%squeeze3A_240, %dma_start3A_245] : memref<72x2560xf32, #tpu.memory_space<vmem_shared>> -> memref<1x2560xf32, #tpu.memory_space<vmem_shared>>
      %dma_start3A_247 = arith.constant 11 : i32
      %dma_start3A_248 = arith.constant 0 : i32
      %dma_start3A_249 = tpu.memref_slice %arg10[%rem3A_79, %dma_start3A_247, %dma_start3A_248] : memref<2x16x2560xf32, #tpu.memory_space<vmem>> -> memref<1x1x2560xf32, #tpu.memory_space<vmem>>
      %dma_start3A_250 = tpu.memref_squeeze %dma_start3A_249 : memref<1x1x2560xf32, #tpu.memory_space<vmem>> -> memref<1x2560xf32, #tpu.memory_space<vmem>>
      %dma_start3A_251 = arith.constant 0 : i32
      %dma_start3A_252 = tpu.memref_slice %arg11[%squeeze3A_240, %dma_start3A_251] : memref<72x2560xf32, #tpu.memory_space<vmem_shared>> -> memref<1x2560xf32, #tpu.memory_space<vmem_shared>>
      tpu.enqueue_dma source(%dma_start3A_252 : memref<1x2560xf32, #tpu.memory_space<vmem_shared>>) target(%dma_start3A_250 : memref<1x2560xf32, #tpu.memory_space<vmem>>) target_semaphore(%arg12 : memref<!tpu.dma_semaphore, #tpu.memory_space<semaphore_mem>>)
      %slice3A_253 = vector.extract_strided_slice %get3A_87 {offsets = [12], sizes = [1], strides = [1]} : vector<16xi32> to vector<1xi32>
      %squeeze3A_254 = vector.extract %slice3A_253[0] : i32 from vector<1xi32>
      %dma_start3A_255 = arith.constant 12 : i32
      %dma_start3A_256 = arith.constant 0 : i32
      %dma_start3A_257 = tpu.memref_slice %arg10[%rem3A_79, %dma_start3A_255, %dma_start3A_256] : memref<2x16x2560xf32, #tpu.memory_space<vmem>> -> memref<1x1x2560xf32, #tpu.memory_space<vmem>>
      %dma_start3A_258 = tpu.memref_squeeze %dma_start3A_257 : memref<1x1x2560xf32, #tpu.memory_space<vmem>> -> memref<1x2560xf32, #tpu.memory_space<vmem>>
      %dma_start3A_259 = arith.constant 0 : i32
      %dma_start3A_260 = tpu.memref_slice %arg11[%squeeze3A_254, %dma_start3A_259] : memref<72x2560xf32, #tpu.memory_space<vmem_shared>> -> memref<1x2560xf32, #tpu.memory_space<vmem_shared>>
      %dma_start3A_261 = arith.constant 12 : i32
      %dma_start3A_262 = arith.constant 0 : i32
      %dma_start3A_263 = tpu.memref_slice %arg10[%rem3A_79, %dma_start3A_261, %dma_start3A_262] : memref<2x16x2560xf32, #tpu.memory_space<vmem>> -> memref<1x1x2560xf32, #tpu.memory_space<vmem>>
      %dma_start3A_264 = tpu.memref_squeeze %dma_start3A_263 : memref<1x1x2560xf32, #tpu.memory_space<vmem>> -> memref<1x2560xf32, #tpu.memory_space<vmem>>
      %dma_start3A_265 = arith.constant 0 : i32
      %dma_start3A_266 = tpu.memref_slice %arg11[%squeeze3A_254, %dma_start3A_265] : memref<72x2560xf32, #tpu.memory_space<vmem_shared>> -> memref<1x2560xf32, #tpu.memory_space<vmem_shared>>
      tpu.enqueue_dma source(%dma_start3A_266 : memref<1x2560xf32, #tpu.memory_space<vmem_shared>>) target(%dma_start3A_264 : memref<1x2560xf32, #tpu.memory_space<vmem>>) target_semaphore(%arg12 : memref<!tpu.dma_semaphore, #tpu.memory_space<semaphore_mem>>)
      %slice3A_267 = vector.extract_strided_slice %get3A_87 {offsets = [13], sizes = [1], strides = [1]} : vector<16xi32> to vector<1xi32>
      %squeeze3A_268 = vector.extract %slice3A_267[0] : i32 from vector<1xi32>
      %dma_start3A_269 = arith.constant 13 : i32
      %dma_start3A_270 = arith.constant 0 : i32
      %dma_start3A_271 = tpu.memref_slice %arg10[%rem3A_79, %dma_start3A_269, %dma_start3A_270] : memref<2x16x2560xf32, #tpu.memory_space<vmem>> -> memref<1x1x2560xf32, #tpu.memory_space<vmem>>
      %dma_start3A_272 = tpu.memref_squeeze %dma_start3A_271 : memref<1x1x2560xf32, #tpu.memory_space<vmem>> -> memref<1x2560xf32, #tpu.memory_space<vmem>>
      %dma_start3A_273 = arith.constant 0 : i32
      %dma_start3A_274 = tpu.memref_slice %arg11[%squeeze3A_268, %dma_start3A_273] : memref<72x2560xf32, #tpu.memory_space<vmem_shared>> -> memref<1x2560xf32, #tpu.memory_space<vmem_shared>>
      %dma_start3A_275 = arith.constant 13 : i32
      %dma_start3A_276 = arith.constant 0 : i32
      %dma_start3A_277 = tpu.memref_slice %arg10[%rem3A_79, %dma_start3A_275, %dma_start3A_276] : memref<2x16x2560xf32, #tpu.memory_space<vmem>> -> memref<1x1x2560xf32, #tpu.memory_space<vmem>>
      %dma_start3A_278 = tpu.memref_squeeze %dma_start3A_277 : memref<1x1x2560xf32, #tpu.memory_space<vmem>> -> memref<1x2560xf32, #tpu.memory_space<vmem>>
      %dma_start3A_279 = arith.constant 0 : i32
      %dma_start3A_280 = tpu.memref_slice %arg11[%squeeze3A_268, %dma_start3A_279] : memref<72x2560xf32, #tpu.memory_space<vmem_shared>> -> memref<1x2560xf32, #tpu.memory_space<vmem_shared>>
      tpu.enqueue_dma source(%dma_start3A_280 : memref<1x2560xf32, #tpu.memory_space<vmem_shared>>) target(%dma_start3A_278 : memref<1x2560xf32, #tpu.memory_space<vmem>>) target_semaphore(%arg12 : memref<!tpu.dma_semaphore, #tpu.memory_space<semaphore_mem>>)
      %slice3A_281 = vector.extract_strided_slice %get3A_87 {offsets = [14], sizes = [1], strides = [1]} : vector<16xi32> to vector<1xi32>
      %squeeze3A_282 = vector.extract %slice3A_281[0] : i32 from vector<1xi32>
      %dma_start3A_283 = arith.constant 14 : i32
      %dma_start3A_284 = arith.constant 0 : i32
      %dma_start3A_285 = tpu.memref_slice %arg10[%rem3A_79, %dma_start3A_283, %dma_start3A_284] : memref<2x16x2560xf32, #tpu.memory_space<vmem>> -> memref<1x1x2560xf32, #tpu.memory_space<vmem>>
      %dma_start3A_286 = tpu.memref_squeeze %dma_start3A_285 : memref<1x1x2560xf32, #tpu.memory_space<vmem>> -> memref<1x2560xf32, #tpu.memory_space<vmem>>
      %dma_start3A_287 = arith.constant 0 : i32
      %dma_start3A_288 = tpu.memref_slice %arg11[%squeeze3A_282, %dma_start3A_287] : memref<72x2560xf32, #tpu.memory_space<vmem_shared>> -> memref<1x2560xf32, #tpu.memory_space<vmem_shared>>
      %dma_start3A_289 = arith.constant 14 : i32
      %dma_start3A_290 = arith.constant 0 : i32
      %dma_start3A_291 = tpu.memref_slice %arg10[%rem3A_79, %dma_start3A_289, %dma_start3A_290] : memref<2x16x2560xf32, #tpu.memory_space<vmem>> -> memref<1x1x2560xf32, #tpu.memory_space<vmem>>
      %dma_start3A_292 = tpu.memref_squeeze %dma_start3A_291 : memref<1x1x2560xf32, #tpu.memory_space<vmem>> -> memref<1x2560xf32, #tpu.memory_space<vmem>>
      %dma_start3A_293 = arith.constant 0 : i32
      %dma_start3A_294 = tpu.memref_slice %arg11[%squeeze3A_282, %dma_start3A_293] : memref<72x2560xf32, #tpu.memory_space<vmem_shared>> -> memref<1x2560xf32, #tpu.memory_space<vmem_shared>>
      tpu.enqueue_dma source(%dma_start3A_294 : memref<1x2560xf32, #tpu.memory_space<vmem_shared>>) target(%dma_start3A_292 : memref<1x2560xf32, #tpu.memory_space<vmem>>) target_semaphore(%arg12 : memref<!tpu.dma_semaphore, #tpu.memory_space<semaphore_mem>>)
      %slice3A_295 = vector.extract_strided_slice %get3A_87 {offsets = [15], sizes = [1], strides = [1]} : vector<16xi32> to vector<1xi32>
      %squeeze3A_296 = vector.extract %slice3A_295[0] : i32 from vector<1xi32>
      %dma_start3A_297 = arith.constant 15 : i32
      %dma_start3A_298 = arith.constant 0 : i32
      %dma_start3A_299 = tpu.memref_slice %arg10[%rem3A_79, %dma_start3A_297, %dma_start3A_298] : memref<2x16x2560xf32, #tpu.memory_space<vmem>> -> memref<1x1x2560xf32, #tpu.memory_space<vmem>>
      %dma_start3A_300 = tpu.memref_squeeze %dma_start3A_299 : memref<1x1x2560xf32, #tpu.memory_space<vmem>> -> memref<1x2560xf32, #tpu.memory_space<vmem>>
      %dma_start3A_301 = arith.constant 0 : i32
      %dma_start3A_302 = tpu.memref_slice %arg11[%squeeze3A_296, %dma_start3A_301] : memref<72x2560xf32, #tpu.memory_space<vmem_shared>> -> memref<1x2560xf32, #tpu.memory_space<vmem_shared>>
      %dma_start3A_303 = arith.constant 15 : i32
      %dma_start3A_304 = arith.constant 0 : i32
      %dma_start3A_305 = tpu.memref_slice %arg10[%rem3A_79, %dma_start3A_303, %dma_start3A_304] : memref<2x16x2560xf32, #tpu.memory_space<vmem>> -> memref<1x1x2560xf32, #tpu.memory_space<vmem>>
      %dma_start3A_306 = tpu.memref_squeeze %dma_start3A_305 : memref<1x1x2560xf32, #tpu.memory_space<vmem>> -> memref<1x2560xf32, #tpu.memory_space<vmem>>
      %dma_start3A_307 = arith.constant 0 : i32
      %dma_start3A_308 = tpu.memref_slice %arg11[%squeeze3A_296, %dma_start3A_307] : memref<72x2560xf32, #tpu.memory_space<vmem_shared>> -> memref<1x2560xf32, #tpu.memory_space<vmem_shared>>
      tpu.enqueue_dma source(%dma_start3A_308 : memref<1x2560xf32, #tpu.memory_space<vmem_shared>>) target(%dma_start3A_306 : memref<1x2560xf32, #tpu.memory_space<vmem>>) target_semaphore(%arg12 : memref<!tpu.dma_semaphore, #tpu.memory_space<semaphore_mem>>)
      %dma_wait3A_309 = arith.constant 0 : i32
      %dma_wait3A_310 = arith.constant 0 : i32
      %dma_wait3A_311 = tpu.memref_slice %arg10[%rem3A_79, %dma_wait3A_309, %dma_wait3A_310] : memref<2x16x2560xf32, #tpu.memory_space<vmem>> -> memref<1x1x2560xf32, #tpu.memory_space<vmem>>
      %dma_wait3A_312 = tpu.memref_squeeze %dma_wait3A_311 : memref<1x1x2560xf32, #tpu.memory_space<vmem>> -> memref<1x2560xf32, #tpu.memory_space<vmem>>
      %dma_wait3A_313 = arith.constant 0 : i32
      %dma_wait3A_314 = tpu.memref_slice %arg11[%squeeze3A, %dma_wait3A_313] : memref<72x2560xf32, #tpu.memory_space<vmem_shared>> -> memref<1x2560xf32, #tpu.memory_space<vmem_shared>>
      %dma_wait3A_315 = arith.constant 0 : i32
      %dma_wait3A_316 = arith.constant 0 : i32
      %dma_wait3A_317 = tpu.memref_slice %arg10[%rem3A_79, %dma_wait3A_315, %dma_wait3A_316] : memref<2x16x2560xf32, #tpu.memory_space<vmem>> -> memref<1x1x2560xf32, #tpu.memory_space<vmem>>
      %dma_wait3A_318 = tpu.memref_squeeze %dma_wait3A_317 : memref<1x1x2560xf32, #tpu.memory_space<vmem>> -> memref<1x2560xf32, #tpu.memory_space<vmem>>
      %dma_wait3A_319 = arith.constant 0 : i32
      %dma_wait3A_320 = tpu.memref_slice %arg11[%squeeze3A, %dma_wait3A_319] : memref<72x2560xf32, #tpu.memory_space<vmem_shared>> -> memref<1x2560xf32, #tpu.memory_space<vmem_shared>>
      tpu.wait_dma2 semaphore(%arg12 : memref<!tpu.dma_semaphore, #tpu.memory_space<semaphore_mem>>) src(%dma_wait3A_320 : memref<1x2560xf32, #tpu.memory_space<vmem_shared>>) dst(%dma_wait3A_318 : memref<1x2560xf32, #tpu.memory_space<vmem>>)
      %dma_wait3A_321 = arith.constant 1 : i32
      %dma_wait3A_322 = arith.constant 0 : i32
      %dma_wait3A_323 = tpu.memref_slice %arg10[%rem3A_79, %dma_wait3A_321, %dma_wait3A_322] : memref<2x16x2560xf32, #tpu.memory_space<vmem>> -> memref<1x1x2560xf32, #tpu.memory_space<vmem>>
      %dma_wait3A_324 = tpu.memref_squeeze %dma_wait3A_323 : memref<1x1x2560xf32, #tpu.memory_space<vmem>> -> memref<1x2560xf32, #tpu.memory_space<vmem>>
      %dma_wait3A_325 = arith.constant 0 : i32
      %dma_wait3A_326 = tpu.memref_slice %arg11[%squeeze3A_100, %dma_wait3A_325] : memref<72x2560xf32, #tpu.memory_space<vmem_shared>> -> memref<1x2560xf32, #tpu.memory_space<vmem_shared>>
      %dma_wait3A_327 = arith.constant 1 : i32
      %dma_wait3A_328 = arith.constant 0 : i32
      %dma_wait3A_329 = tpu.memref_slice %arg10[%rem3A_79, %dma_wait3A_327, %dma_wait3A_328] : memref<2x16x2560xf32, #tpu.memory_space<vmem>> -> memref<1x1x2560xf32, #tpu.memory_space<vmem>>
      %dma_wait3A_330 = tpu.memref_squeeze %dma_wait3A_329 : memref<1x1x2560xf32, #tpu.memory_space<vmem>> -> memref<1x2560xf32, #tpu.memory_space<vmem>>
      %dma_wait3A_331 = arith.constant 0 : i32
      %dma_wait3A_332 = tpu.memref_slice %arg11[%squeeze3A_100, %dma_wait3A_331] : memref<72x2560xf32, #tpu.memory_space<vmem_shared>> -> memref<1x2560xf32, #tpu.memory_space<vmem_shared>>
      tpu.wait_dma2 semaphore(%arg12 : memref<!tpu.dma_semaphore, #tpu.memory_space<semaphore_mem>>) src(%dma_wait3A_332 : memref<1x2560xf32, #tpu.memory_space<vmem_shared>>) dst(%dma_wait3A_330 : memref<1x2560xf32, #tpu.memory_space<vmem>>)
      %dma_wait3A_333 = arith.constant 2 : i32
      %dma_wait3A_334 = arith.constant 0 : i32
      %dma_wait3A_335 = tpu.memref_slice %arg10[%rem3A_79, %dma_wait3A_333, %dma_wait3A_334] : memref<2x16x2560xf32, #tpu.memory_space<vmem>> -> memref<1x1x2560xf32, #tpu.memory_space<vmem>>
      %dma_wait3A_336 = tpu.memref_squeeze %dma_wait3A_335 : memref<1x1x2560xf32, #tpu.memory_space<vmem>> -> memref<1x2560xf32, #tpu.memory_space<vmem>>
      %dma_wait3A_337 = arith.constant 0 : i32
      %dma_wait3A_338 = tpu.memref_slice %arg11[%squeeze3A_114, %dma_wait3A_337] : memref<72x2560xf32, #tpu.memory_space<vmem_shared>> -> memref<1x2560xf32, #tpu.memory_space<vmem_shared>>
      %dma_wait3A_339 = arith.constant 2 : i32
      %dma_wait3A_340 = arith.constant 0 : i32
      %dma_wait3A_341 = tpu.memref_slice %arg10[%rem3A_79, %dma_wait3A_339, %dma_wait3A_340] : memref<2x16x2560xf32, #tpu.memory_space<vmem>> -> memref<1x1x2560xf32, #tpu.memory_space<vmem>>
      %dma_wait3A_342 = tpu.memref_squeeze %dma_wait3A_341 : memref<1x1x2560xf32, #tpu.memory_space<vmem>> -> memref<1x2560xf32, #tpu.memory_space<vmem>>
      %dma_wait3A_343 = arith.constant 0 : i32
      %dma_wait3A_344 = tpu.memref_slice %arg11[%squeeze3A_114, %dma_wait3A_343] : memref<72x2560xf32, #tpu.memory_space<vmem_shared>> -> memref<1x2560xf32, #tpu.memory_space<vmem_shared>>
      tpu.wait_dma2 semaphore(%arg12 : memref<!tpu.dma_semaphore, #tpu.memory_space<semaphore_mem>>) src(%dma_wait3A_344 : memref<1x2560xf32, #tpu.memory_space<vmem_shared>>) dst(%dma_wait3A_342 : memref<1x2560xf32, #tpu.memory_space<vmem>>)
      %dma_wait3A_345 = arith.constant 3 : i32
      %dma_wait3A_346 = arith.constant 0 : i32
      %dma_wait3A_347 = tpu.memref_slice %arg10[%rem3A_79, %dma_wait3A_345, %dma_wait3A_346] : memref<2x16x2560xf32, #tpu.memory_space<vmem>> -> memref<1x1x2560xf32, #tpu.memory_space<vmem>>
      %dma_wait3A_348 = tpu.memref_squeeze %dma_wait3A_347 : memref<1x1x2560xf32, #tpu.memory_space<vmem>> -> memref<1x2560xf32, #tpu.memory_space<vmem>>
      %dma_wait3A_349 = arith.constant 0 : i32
      %dma_wait3A_350 = tpu.memref_slice %arg11[%squeeze3A_128, %dma_wait3A_349] : memref<72x2560xf32, #tpu.memory_space<vmem_shared>> -> memref<1x2560xf32, #tpu.memory_space<vmem_shared>>
      %dma_wait3A_351 = arith.constant 3 : i32
      %dma_wait3A_352 = arith.constant 0 : i32
      %dma_wait3A_353 = tpu.memref_slice %arg10[%rem3A_79, %dma_wait3A_351, %dma_wait3A_352] : memref<2x16x2560xf32, #tpu.memory_space<vmem>> -> memref<1x1x2560xf32, #tpu.memory_space<vmem>>
      %dma_wait3A_354 = tpu.memref_squeeze %dma_wait3A_353 : memref<1x1x2560xf32, #tpu.memory_space<vmem>> -> memref<1x2560xf32, #tpu.memory_space<vmem>>
      %dma_wait3A_355 = arith.constant 0 : i32
      %dma_wait3A_356 = tpu.memref_slice %arg11[%squeeze3A_128, %dma_wait3A_355] : memref<72x2560xf32, #tpu.memory_space<vmem_shared>> -> memref<1x2560xf32, #tpu.memory_space<vmem_shared>>
      tpu.wait_dma2 semaphore(%arg12 : memref<!tpu.dma_semaphore, #tpu.memory_space<semaphore_mem>>) src(%dma_wait3A_356 : memref<1x2560xf32, #tpu.memory_space<vmem_shared>>) dst(%dma_wait3A_354 : memref<1x2560xf32, #tpu.memory_space<vmem>>)
      %dma_wait3A_357 = arith.constant 4 : i32
      %dma_wait3A_358 = arith.constant 0 : i32
      %dma_wait3A_359 = tpu.memref_slice %arg10[%rem3A_79, %dma_wait3A_357, %dma_wait3A_358] : memref<2x16x2560xf32, #tpu.memory_space<vmem>> -> memref<1x1x2560xf32, #tpu.memory_space<vmem>>
      %dma_wait3A_360 = tpu.memref_squeeze %dma_wait3A_359 : memref<1x1x2560xf32, #tpu.memory_space<vmem>> -> memref<1x2560xf32, #tpu.memory_space<vmem>>
      %dma_wait3A_361 = arith.constant 0 : i32
      %dma_wait3A_362 = tpu.memref_slice %arg11[%squeeze3A_142, %dma_wait3A_361] : memref<72x2560xf32, #tpu.memory_space<vmem_shared>> -> memref<1x2560xf32, #tpu.memory_space<vmem_shared>>
      %dma_wait3A_363 = arith.constant 4 : i32
      %dma_wait3A_364 = arith.constant 0 : i32
      %dma_wait3A_365 = tpu.memref_slice %arg10[%rem3A_79, %dma_wait3A_363, %dma_wait3A_364] : memref<2x16x2560xf32, #tpu.memory_space<vmem>> -> memref<1x1x2560xf32, #tpu.memory_space<vmem>>
      %dma_wait3A_366 = tpu.memref_squeeze %dma_wait3A_365 : memref<1x1x2560xf32, #tpu.memory_space<vmem>> -> memref<1x2560xf32, #tpu.memory_space<vmem>>
      %dma_wait3A_367 = arith.constant 0 : i32
      %dma_wait3A_368 = tpu.memref_slice %arg11[%squeeze3A_142, %dma_wait3A_367] : memref<72x2560xf32, #tpu.memory_space<vmem_shared>> -> memref<1x2560xf32, #tpu.memory_space<vmem_shared>>
      tpu.wait_dma2 semaphore(%arg12 : memref<!tpu.dma_semaphore, #tpu.memory_space<semaphore_mem>>) src(%dma_wait3A_368 : memref<1x2560xf32, #tpu.memory_space<vmem_shared>>) dst(%dma_wait3A_366 : memref<1x2560xf32, #tpu.memory_space<vmem>>)
      %dma_wait3A_369 = arith.constant 5 : i32
      %dma_wait3A_370 = arith.constant 0 : i32
      %dma_wait3A_371 = tpu.memref_slice %arg10[%rem3A_79, %dma_wait3A_369, %dma_wait3A_370] : memref<2x16x2560xf32, #tpu.memory_space<vmem>> -> memref<1x1x2560xf32, #tpu.memory_space<vmem>>
      %dma_wait3A_372 = tpu.memref_squeeze %dma_wait3A_371 : memref<1x1x2560xf32, #tpu.memory_space<vmem>> -> memref<1x2560xf32, #tpu.memory_space<vmem>>
      %dma_wait3A_373 = arith.constant 0 : i32
      %dma_wait3A_374 = tpu.memref_slice %arg11[%squeeze3A_156, %dma_wait3A_373] : memref<72x2560xf32, #tpu.memory_space<vmem_shared>> -> memref<1x2560xf32, #tpu.memory_space<vmem_shared>>
      %dma_wait3A_375 = arith.constant 5 : i32
      %dma_wait3A_376 = arith.constant 0 : i32
      %dma_wait3A_377 = tpu.memref_slice %arg10[%rem3A_79, %dma_wait3A_375, %dma_wait3A_376] : memref<2x16x2560xf32, #tpu.memory_space<vmem>> -> memref<1x1x2560xf32, #tpu.memory_space<vmem>>
      %dma_wait3A_378 = tpu.memref_squeeze %dma_wait3A_377 : memref<1x1x2560xf32, #tpu.memory_space<vmem>> -> memref<1x2560xf32, #tpu.memory_space<vmem>>
      %dma_wait3A_379 = arith.constant 0 : i32
      %dma_wait3A_380 = tpu.memref_slice %arg11[%squeeze3A_156, %dma_wait3A_379] : memref<72x2560xf32, #tpu.memory_space<vmem_shared>> -> memref<1x2560xf32, #tpu.memory_space<vmem_shared>>
      tpu.wait_dma2 semaphore(%arg12 : memref<!tpu.dma_semaphore, #tpu.memory_space<semaphore_mem>>) src(%dma_wait3A_380 : memref<1x2560xf32, #tpu.memory_space<vmem_shared>>) dst(%dma_wait3A_378 : memref<1x2560xf32, #tpu.memory_space<vmem>>)
      %dma_wait3A_381 = arith.constant 6 : i32
      %dma_wait3A_382 = arith.constant 0 : i32
      %dma_wait3A_383 = tpu.memref_slice %arg10[%rem3A_79, %dma_wait3A_381, %dma_wait3A_382] : memref<2x16x2560xf32, #tpu.memory_space<vmem>> -> memref<1x1x2560xf32, #tpu.memory_space<vmem>>
      %dma_wait3A_384 = tpu.memref_squeeze %dma_wait3A_383 : memref<1x1x2560xf32, #tpu.memory_space<vmem>> -> memref<1x2560xf32, #tpu.memory_space<vmem>>
      %dma_wait3A_385 = arith.constant 0 : i32
      %dma_wait3A_386 = tpu.memref_slice %arg11[%squeeze3A_170, %dma_wait3A_385] : memref<72x2560xf32, #tpu.memory_space<vmem_shared>> -> memref<1x2560xf32, #tpu.memory_space<vmem_shared>>
      %dma_wait3A_387 = arith.constant 6 : i32
      %dma_wait3A_388 = arith.constant 0 : i32
      %dma_wait3A_389 = tpu.memref_slice %arg10[%rem3A_79, %dma_wait3A_387, %dma_wait3A_388] : memref<2x16x2560xf32, #tpu.memory_space<vmem>> -> memref<1x1x2560xf32, #tpu.memory_space<vmem>>
      %dma_wait3A_390 = tpu.memref_squeeze %dma_wait3A_389 : memref<1x1x2560xf32, #tpu.memory_space<vmem>> -> memref<1x2560xf32, #tpu.memory_space<vmem>>
      %dma_wait3A_391 = arith.constant 0 : i32
      %dma_wait3A_392 = tpu.memref_slice %arg11[%squeeze3A_170, %dma_wait3A_391] : memref<72x2560xf32, #tpu.memory_space<vmem_shared>> -> memref<1x2560xf32, #tpu.memory_space<vmem_shared>>
      tpu.wait_dma2 semaphore(%arg12 : memref<!tpu.dma_semaphore, #tpu.memory_space<semaphore_mem>>) src(%dma_wait3A_392 : memref<1x2560xf32, #tpu.memory_space<vmem_shared>>) dst(%dma_wait3A_390 : memref<1x2560xf32, #tpu.memory_space<vmem>>)
      %dma_wait3A_393 = arith.constant 7 : i32
      %dma_wait3A_394 = arith.constant 0 : i32
      %dma_wait3A_395 = tpu.memref_slice %arg10[%rem3A_79, %dma_wait3A_393, %dma_wait3A_394] : memref<2x16x2560xf32, #tpu.memory_space<vmem>> -> memref<1x1x2560xf32, #tpu.memory_space<vmem>>
      %dma_wait3A_396 = tpu.memref_squeeze %dma_wait3A_395 : memref<1x1x2560xf32, #tpu.memory_space<vmem>> -> memref<1x2560xf32, #tpu.memory_space<vmem>>
      %dma_wait3A_397 = arith.constant 0 : i32
      %dma_wait3A_398 = tpu.memref_slice %arg11[%squeeze3A_184, %dma_wait3A_397] : memref<72x2560xf32, #tpu.memory_space<vmem_shared>> -> memref<1x2560xf32, #tpu.memory_space<vmem_shared>>
      %dma_wait3A_399 = arith.constant 7 : i32
      %dma_wait3A_400 = arith.constant 0 : i32
      %dma_wait3A_401 = tpu.memref_slice %arg10[%rem3A_79, %dma_wait3A_399, %dma_wait3A_400] : memref<2x16x2560xf32, #tpu.memory_space<vmem>> -> memref<1x1x2560xf32, #tpu.memory_space<vmem>>
      %dma_wait3A_402 = tpu.memref_squeeze %dma_wait3A_401 : memref<1x1x2560xf32, #tpu.memory_space<vmem>> -> memref<1x2560xf32, #tpu.memory_space<vmem>>
      %dma_wait3A_403 = arith.constant 0 : i32
      %dma_wait3A_404 = tpu.memref_slice %arg11[%squeeze3A_184, %dma_wait3A_403] : memref<72x2560xf32, #tpu.memory_space<vmem_shared>> -> memref<1x2560xf32, #tpu.memory_space<vmem_shared>>
      tpu.wait_dma2 semaphore(%arg12 : memref<!tpu.dma_semaphore, #tpu.memory_space<semaphore_mem>>) src(%dma_wait3A_404 : memref<1x2560xf32, #tpu.memory_space<vmem_shared>>) dst(%dma_wait3A_402 : memref<1x2560xf32, #tpu.memory_space<vmem>>)
      %dma_wait3A_405 = arith.constant 8 : i32
      %dma_wait3A_406 = arith.constant 0 : i32
      %dma_wait3A_407 = tpu.memref_slice %arg10[%rem3A_79, %dma_wait3A_405, %dma_wait3A_406] : memref<2x16x2560xf32, #tpu.memory_space<vmem>> -> memref<1x1x2560xf32, #tpu.memory_space<vmem>>
      %dma_wait3A_408 = tpu.memref_squeeze %dma_wait3A_407 : memref<1x1x2560xf32, #tpu.memory_space<vmem>> -> memref<1x2560xf32, #tpu.memory_space<vmem>>
      %dma_wait3A_409 = arith.constant 0 : i32
      %dma_wait3A_410 = tpu.memref_slice %arg11[%squeeze3A_198, %dma_wait3A_409] : memref<72x2560xf32, #tpu.memory_space<vmem_shared>> -> memref<1x2560xf32, #tpu.memory_space<vmem_shared>>
      %dma_wait3A_411 = arith.constant 8 : i32
      %dma_wait3A_412 = arith.constant 0 : i32
      %dma_wait3A_413 = tpu.memref_slice %arg10[%rem3A_79, %dma_wait3A_411, %dma_wait3A_412] : memref<2x16x2560xf32, #tpu.memory_space<vmem>> -> memref<1x1x2560xf32, #tpu.memory_space<vmem>>
      %dma_wait3A_414 = tpu.memref_squeeze %dma_wait3A_413 : memref<1x1x2560xf32, #tpu.memory_space<vmem>> -> memref<1x2560xf32, #tpu.memory_space<vmem>>
      %dma_wait3A_415 = arith.constant 0 : i32
      %dma_wait3A_416 = tpu.memref_slice %arg11[%squeeze3A_198, %dma_wait3A_415] : memref<72x2560xf32, #tpu.memory_space<vmem_shared>> -> memref<1x2560xf32, #tpu.memory_space<vmem_shared>>
      tpu.wait_dma2 semaphore(%arg12 : memref<!tpu.dma_semaphore, #tpu.memory_space<semaphore_mem>>) src(%dma_wait3A_416 : memref<1x2560xf32, #tpu.memory_space<vmem_shared>>) dst(%dma_wait3A_414 : memref<1x2560xf32, #tpu.memory_space<vmem>>)
      %dma_wait3A_417 = arith.constant 9 : i32
      %dma_wait3A_418 = arith.constant 0 : i32
      %dma_wait3A_419 = tpu.memref_slice %arg10[%rem3A_79, %dma_wait3A_417, %dma_wait3A_418] : memref<2x16x2560xf32, #tpu.memory_space<vmem>> -> memref<1x1x2560xf32, #tpu.memory_space<vmem>>
      %dma_wait3A_420 = tpu.memref_squeeze %dma_wait3A_419 : memref<1x1x2560xf32, #tpu.memory_space<vmem>> -> memref<1x2560xf32, #tpu.memory_space<vmem>>
      %dma_wait3A_421 = arith.constant 0 : i32
      %dma_wait3A_422 = tpu.memref_slice %arg11[%squeeze3A_212, %dma_wait3A_421] : memref<72x2560xf32, #tpu.memory_space<vmem_shared>> -> memref<1x2560xf32, #tpu.memory_space<vmem_shared>>
      %dma_wait3A_423 = arith.constant 9 : i32
      %dma_wait3A_424 = arith.constant 0 : i32
      %dma_wait3A_425 = tpu.memref_slice %arg10[%rem3A_79, %dma_wait3A_423, %dma_wait3A_424] : memref<2x16x2560xf32, #tpu.memory_space<vmem>> -> memref<1x1x2560xf32, #tpu.memory_space<vmem>>
      %dma_wait3A_426 = tpu.memref_squeeze %dma_wait3A_425 : memref<1x1x2560xf32, #tpu.memory_space<vmem>> -> memref<1x2560xf32, #tpu.memory_space<vmem>>
      %dma_wait3A_427 = arith.constant 0 : i32
      %dma_wait3A_428 = tpu.memref_slice %arg11[%squeeze3A_212, %dma_wait3A_427] : memref<72x2560xf32, #tpu.memory_space<vmem_shared>> -> memref<1x2560xf32, #tpu.memory_space<vmem_shared>>
      tpu.wait_dma2 semaphore(%arg12 : memref<!tpu.dma_semaphore, #tpu.memory_space<semaphore_mem>>) src(%dma_wait3A_428 : memref<1x2560xf32, #tpu.memory_space<vmem_shared>>) dst(%dma_wait3A_426 : memref<1x2560xf32, #tpu.memory_space<vmem>>)
      %dma_wait3A_429 = arith.constant 10 : i32
      %dma_wait3A_430 = arith.constant 0 : i32
      %dma_wait3A_431 = tpu.memref_slice %arg10[%rem3A_79, %dma_wait3A_429, %dma_wait3A_430] : memref<2x16x2560xf32, #tpu.memory_space<vmem>> -> memref<1x1x2560xf32, #tpu.memory_space<vmem>>
      %dma_wait3A_432 = tpu.memref_squeeze %dma_wait3A_431 : memref<1x1x2560xf32, #tpu.memory_space<vmem>> -> memref<1x2560xf32, #tpu.memory_space<vmem>>
      %dma_wait3A_433 = arith.constant 0 : i32
      %dma_wait3A_434 = tpu.memref_slice %arg11[%squeeze3A_226, %dma_wait3A_433] : memref<72x2560xf32, #tpu.memory_space<vmem_shared>> -> memref<1x2560xf32, #tpu.memory_space<vmem_shared>>
      %dma_wait3A_435 = arith.constant 10 : i32
      %dma_wait3A_436 = arith.constant 0 : i32
      %dma_wait3A_437 = tpu.memref_slice %arg10[%rem3A_79, %dma_wait3A_435, %dma_wait3A_436] : memref<2x16x2560xf32, #tpu.memory_space<vmem>> -> memref<1x1x2560xf32, #tpu.memory_space<vmem>>
      %dma_wait3A_438 = tpu.memref_squeeze %dma_wait3A_437 : memref<1x1x2560xf32, #tpu.memory_space<vmem>> -> memref<1x2560xf32, #tpu.memory_space<vmem>>
      %dma_wait3A_439 = arith.constant 0 : i32
      %dma_wait3A_440 = tpu.memref_slice %arg11[%squeeze3A_226, %dma_wait3A_439] : memref<72x2560xf32, #tpu.memory_space<vmem_shared>> -> memref<1x2560xf32, #tpu.memory_space<vmem_shared>>
      tpu.wait_dma2 semaphore(%arg12 : memref<!tpu.dma_semaphore, #tpu.memory_space<semaphore_mem>>) src(%dma_wait3A_440 : memref<1x2560xf32, #tpu.memory_space<vmem_shared>>) dst(%dma_wait3A_438 : memref<1x2560xf32, #tpu.memory_space<vmem>>)
      %dma_wait3A_441 = arith.constant 11 : i32
      %dma_wait3A_442 = arith.constant 0 : i32
      %dma_wait3A_443 = tpu.memref_slice %arg10[%rem3A_79, %dma_wait3A_441, %dma_wait3A_442] : memref<2x16x2560xf32, #tpu.memory_space<vmem>> -> memref<1x1x2560xf32, #tpu.memory_space<vmem>>
      %dma_wait3A_444 = tpu.memref_squeeze %dma_wait3A_443 : memref<1x1x2560xf32, #tpu.memory_space<vmem>> -> memref<1x2560xf32, #tpu.memory_space<vmem>>
      %dma_wait3A_445 = arith.constant 0 : i32
      %dma_wait3A_446 = tpu.memref_slice %arg11[%squeeze3A_240, %dma_wait3A_445] : memref<72x2560xf32, #tpu.memory_space<vmem_shared>> -> memref<1x2560xf32, #tpu.memory_space<vmem_shared>>
      %dma_wait3A_447 = arith.constant 11 : i32
      %dma_wait3A_448 = arith.constant 0 : i32
      %dma_wait3A_449 = tpu.memref_slice %arg10[%rem3A_79, %dma_wait3A_447, %dma_wait3A_448] : memref<2x16x2560xf32, #tpu.memory_space<vmem>> -> memref<1x1x2560xf32, #tpu.memory_space<vmem>>
      %dma_wait3A_450 = tpu.memref_squeeze %dma_wait3A_449 : memref<1x1x2560xf32, #tpu.memory_space<vmem>> -> memref<1x2560xf32, #tpu.memory_space<vmem>>
      %dma_wait3A_451 = arith.constant 0 : i32
      %dma_wait3A_452 = tpu.memref_slice %arg11[%squeeze3A_240, %dma_wait3A_451] : memref<72x2560xf32, #tpu.memory_space<vmem_shared>> -> memref<1x2560xf32, #tpu.memory_space<vmem_shared>>
      tpu.wait_dma2 semaphore(%arg12 : memref<!tpu.dma_semaphore, #tpu.memory_space<semaphore_mem>>) src(%dma_wait3A_452 : memref<1x2560xf32, #tpu.memory_space<vmem_shared>>) dst(%dma_wait3A_450 : memref<1x2560xf32, #tpu.memory_space<vmem>>)
      %dma_wait3A_453 = arith.constant 12 : i32
      %dma_wait3A_454 = arith.constant 0 : i32
      %dma_wait3A_455 = tpu.memref_slice %arg10[%rem3A_79, %dma_wait3A_453, %dma_wait3A_454] : memref<2x16x2560xf32, #tpu.memory_space<vmem>> -> memref<1x1x2560xf32, #tpu.memory_space<vmem>>
      %dma_wait3A_456 = tpu.memref_squeeze %dma_wait3A_455 : memref<1x1x2560xf32, #tpu.memory_space<vmem>> -> memref<1x2560xf32, #tpu.memory_space<vmem>>
      %dma_wait3A_457 = arith.constant 0 : i32
      %dma_wait3A_458 = tpu.memref_slice %arg11[%squeeze3A_254, %dma_wait3A_457] : memref<72x2560xf32, #tpu.memory_space<vmem_shared>> -> memref<1x2560xf32, #tpu.memory_space<vmem_shared>>
      %dma_wait3A_459 = arith.constant 12 : i32
      %dma_wait3A_460 = arith.constant 0 : i32
      %dma_wait3A_461 = tpu.memref_slice %arg10[%rem3A_79, %dma_wait3A_459, %dma_wait3A_460] : memref<2x16x2560xf32, #tpu.memory_space<vmem>> -> memref<1x1x2560xf32, #tpu.memory_space<vmem>>
      %dma_wait3A_462 = tpu.memref_squeeze %dma_wait3A_461 : memref<1x1x2560xf32, #tpu.memory_space<vmem>> -> memref<1x2560xf32, #tpu.memory_space<vmem>>
      %dma_wait3A_463 = arith.constant 0 : i32
      %dma_wait3A_464 = tpu.memref_slice %arg11[%squeeze3A_254, %dma_wait3A_463] : memref<72x2560xf32, #tpu.memory_space<vmem_shared>> -> memref<1x2560xf32, #tpu.memory_space<vmem_shared>>
      tpu.wait_dma2 semaphore(%arg12 : memref<!tpu.dma_semaphore, #tpu.memory_space<semaphore_mem>>) src(%dma_wait3A_464 : memref<1x2560xf32, #tpu.memory_space<vmem_shared>>) dst(%dma_wait3A_462 : memref<1x2560xf32, #tpu.memory_space<vmem>>)
      %dma_wait3A_465 = arith.constant 13 : i32
      %dma_wait3A_466 = arith.constant 0 : i32
      %dma_wait3A_467 = tpu.memref_slice %arg10[%rem3A_79, %dma_wait3A_465, %dma_wait3A_466] : memref<2x16x2560xf32, #tpu.memory_space<vmem>> -> memref<1x1x2560xf32, #tpu.memory_space<vmem>>
      %dma_wait3A_468 = tpu.memref_squeeze %dma_wait3A_467 : memref<1x1x2560xf32, #tpu.memory_space<vmem>> -> memref<1x2560xf32, #tpu.memory_space<vmem>>
      %dma_wait3A_469 = arith.constant 0 : i32
      %dma_wait3A_470 = tpu.memref_slice %arg11[%squeeze3A_268, %dma_wait3A_469] : memref<72x2560xf32, #tpu.memory_space<vmem_shared>> -> memref<1x2560xf32, #tpu.memory_space<vmem_shared>>
      %dma_wait3A_471 = arith.constant 13 : i32
      %dma_wait3A_472 = arith.constant 0 : i32
      %dma_wait3A_473 = tpu.memref_slice %arg10[%rem3A_79, %dma_wait3A_471, %dma_wait3A_472] : memref<2x16x2560xf32, #tpu.memory_space<vmem>> -> memref<1x1x2560xf32, #tpu.memory_space<vmem>>
      %dma_wait3A_474 = tpu.memref_squeeze %dma_wait3A_473 : memref<1x1x2560xf32, #tpu.memory_space<vmem>> -> memref<1x2560xf32, #tpu.memory_space<vmem>>
      %dma_wait3A_475 = arith.constant 0 : i32
      %dma_wait3A_476 = tpu.memref_slice %arg11[%squeeze3A_268, %dma_wait3A_475] : memref<72x2560xf32, #tpu.memory_space<vmem_shared>> -> memref<1x2560xf32, #tpu.memory_space<vmem_shared>>
      tpu.wait_dma2 semaphore(%arg12 : memref<!tpu.dma_semaphore, #tpu.memory_space<semaphore_mem>>) src(%dma_wait3A_476 : memref<1x2560xf32, #tpu.memory_space<vmem_shared>>) dst(%dma_wait3A_474 : memref<1x2560xf32, #tpu.memory_space<vmem>>)
      %dma_wait3A_477 = arith.constant 14 : i32
      %dma_wait3A_478 = arith.constant 0 : i32
      %dma_wait3A_479 = tpu.memref_slice %arg10[%rem3A_79, %dma_wait3A_477, %dma_wait3A_478] : memref<2x16x2560xf32, #tpu.memory_space<vmem>> -> memref<1x1x2560xf32, #tpu.memory_space<vmem>>
      %dma_wait3A_480 = tpu.memref_squeeze %dma_wait3A_479 : memref<1x1x2560xf32, #tpu.memory_space<vmem>> -> memref<1x2560xf32, #tpu.memory_space<vmem>>
      %dma_wait3A_481 = arith.constant 0 : i32
      %dma_wait3A_482 = tpu.memref_slice %arg11[%squeeze3A_282, %dma_wait3A_481] : memref<72x2560xf32, #tpu.memory_space<vmem_shared>> -> memref<1x2560xf32, #tpu.memory_space<vmem_shared>>
      %dma_wait3A_483 = arith.constant 14 : i32
      %dma_wait3A_484 = arith.constant 0 : i32
      %dma_wait3A_485 = tpu.memref_slice %arg10[%rem3A_79, %dma_wait3A_483, %dma_wait3A_484] : memref<2x16x2560xf32, #tpu.memory_space<vmem>> -> memref<1x1x2560xf32, #tpu.memory_space<vmem>>
      %dma_wait3A_486 = tpu.memref_squeeze %dma_wait3A_485 : memref<1x1x2560xf32, #tpu.memory_space<vmem>> -> memref<1x2560xf32, #tpu.memory_space<vmem>>
      %dma_wait3A_487 = arith.constant 0 : i32
      %dma_wait3A_488 = tpu.memref_slice %arg11[%squeeze3A_282, %dma_wait3A_487] : memref<72x2560xf32, #tpu.memory_space<vmem_shared>> -> memref<1x2560xf32, #tpu.memory_space<vmem_shared>>
      tpu.wait_dma2 semaphore(%arg12 : memref<!tpu.dma_semaphore, #tpu.memory_space<semaphore_mem>>) src(%dma_wait3A_488 : memref<1x2560xf32, #tpu.memory_space<vmem_shared>>) dst(%dma_wait3A_486 : memref<1x2560xf32, #tpu.memory_space<vmem>>)
      %dma_wait3A_489 = arith.constant 15 : i32
      %dma_wait3A_490 = arith.constant 0 : i32
      %dma_wait3A_491 = tpu.memref_slice %arg10[%rem3A_79, %dma_wait3A_489, %dma_wait3A_490] : memref<2x16x2560xf32, #tpu.memory_space<vmem>> -> memref<1x1x2560xf32, #tpu.memory_space<vmem>>
      %dma_wait3A_492 = tpu.memref_squeeze %dma_wait3A_491 : memref<1x1x2560xf32, #tpu.memory_space<vmem>> -> memref<1x2560xf32, #tpu.memory_space<vmem>>
      %dma_wait3A_493 = arith.constant 0 : i32
      %dma_wait3A_494 = tpu.memref_slice %arg11[%squeeze3A_296, %dma_wait3A_493] : memref<72x2560xf32, #tpu.memory_space<vmem_shared>> -> memref<1x2560xf32, #tpu.memory_space<vmem_shared>>
      %dma_wait3A_495 = arith.constant 15 : i32
      %dma_wait3A_496 = arith.constant 0 : i32
      %dma_wait3A_497 = tpu.memref_slice %arg10[%rem3A_79, %dma_wait3A_495, %dma_wait3A_496] : memref<2x16x2560xf32, #tpu.memory_space<vmem>> -> memref<1x1x2560xf32, #tpu.memory_space<vmem>>
      %dma_wait3A_498 = tpu.memref_squeeze %dma_wait3A_497 : memref<1x1x2560xf32, #tpu.memory_space<vmem>> -> memref<1x2560xf32, #tpu.memory_space<vmem>>
      %dma_wait3A_499 = arith.constant 0 : i32
      %dma_wait3A_500 = tpu.memref_slice %arg11[%squeeze3A_296, %dma_wait3A_499] : memref<72x2560xf32, #tpu.memory_space<vmem_shared>> -> memref<1x2560xf32, #tpu.memory_space<vmem_shared>>
      tpu.wait_dma2 semaphore(%arg12 : memref<!tpu.dma_semaphore, #tpu.memory_space<semaphore_mem>>) src(%dma_wait3A_500 : memref<1x2560xf32, #tpu.memory_space<vmem_shared>>) dst(%dma_wait3A_498 : memref<1x2560xf32, #tpu.memory_space<vmem>>)
      %mul3A_501 = arith.constant 16 : i32
      %mul3A_502 = arith.muli %scan3A_76, %mul3A_501 : i32
      %add3A_503 = arith.addi %mul3A_32, %mul3A_502 : i32
      %dma_start3A_504 = arith.constant 0 : i32
      %dma_start3A_505 = arith.constant 0 : i32
      %dma_start3A_506 = tpu.memref_slice %arg10[%rem3A_79, %dma_start3A_504, %dma_start3A_505] : memref<2x16x2560xf32, #tpu.memory_space<vmem>> -> memref<1x16x2560xf32, #tpu.memory_space<vmem>>
      %dma_start3A_507 = tpu.memref_squeeze %dma_start3A_506 : memref<1x16x2560xf32, #tpu.memory_space<vmem>> -> memref<16x2560xf32, #tpu.memory_space<vmem>>
      %dma_start3A_508 = arith.constant 0 : i32
      %dma_start3A_509 = tpu.memref_slice %arg6[%select_n3A, %add3A_503, %dma_start3A_508] : memref<4x2048x2560xf32, #tpu.memory_space<hbm>> -> memref<1x16x2560xf32, #tpu.memory_space<hbm>>
      %dma_start3A_510 = tpu.memref_squeeze %dma_start3A_509 : memref<1x16x2560xf32, #tpu.memory_space<hbm>> -> memref<16x2560xf32, #tpu.memory_space<hbm>>
      %dma_start3A_511 = arith.constant 0 : i32
      %dma_start3A_512 = tpu.memref_slice %arg6[%select_n3A, %add3A_503, %dma_start3A_511] : memref<4x2048x2560xf32, #tpu.memory_space<hbm>> -> memref<1x16x2560xf32, #tpu.memory_space<hbm>>
      %dma_start3A_513 = tpu.memref_squeeze %dma_start3A_512 : memref<1x16x2560xf32, #tpu.memory_space<hbm>> -> memref<16x2560xf32, #tpu.memory_space<hbm>>
      %dma_start3A_514 = arith.constant 0 : i32
      %dma_start3A_515 = arith.constant 0 : i32
      %dma_start3A_516 = tpu.memref_slice %arg10[%rem3A_79, %dma_start3A_514, %dma_start3A_515] : memref<2x16x2560xf32, #tpu.memory_space<vmem>> -> memref<1x16x2560xf32, #tpu.memory_space<vmem>>
      %dma_start3A_517 = tpu.memref_squeeze %dma_start3A_516 : memref<1x16x2560xf32, #tpu.memory_space<vmem>> -> memref<16x2560xf32, #tpu.memory_space<vmem>>
      tpu.enqueue_dma source(%dma_start3A_517 : memref<16x2560xf32, #tpu.memory_space<vmem>>) target(%dma_start3A_513 : memref<16x2560xf32, #tpu.memory_space<hbm>>) target_semaphore(%arg13 : memref<!tpu.dma_semaphore, #tpu.memory_space<semaphore_mem>>)
      %scan3A_518 = arith.constant 0 : i32
      scf.yield %scan3A_518 : i32
    }
    %scan3A_46 = arith.constant 16 : i32
    %dma_wait3A = arith.constant 0 : i32
    %dma_wait3A_47 = arith.constant 0 : i32
    %dma_wait3A_48 = arith.constant 0 : i32
    %dma_wait3A_49 = tpu.memref_slice %arg10[%dma_wait3A, %dma_wait3A_47, %dma_wait3A_48] : memref<2x16x2560xf32, #tpu.memory_space<vmem>> -> memref<1x16x2560xf32, #tpu.memory_space<vmem>>
    %dma_wait3A_50 = tpu.memref_squeeze %dma_wait3A_49 : memref<1x16x2560xf32, #tpu.memory_space<vmem>> -> memref<16x2560xf32, #tpu.memory_space<vmem>>
    %dma_wait3A_51 = arith.constant 0 : i32
    %dma_wait3A_52 = tpu.memref_slice %arg6[%select_n3A, %mul3A_32, %dma_wait3A_51] : memref<4x2048x2560xf32, #tpu.memory_space<hbm>> -> memref<1x16x2560xf32, #tpu.memory_space<hbm>>
    %dma_wait3A_53 = tpu.memref_squeeze %dma_wait3A_52 : memref<1x16x2560xf32, #tpu.memory_space<hbm>> -> memref<16x2560xf32, #tpu.memory_space<hbm>>
    %dma_wait3A_54 = arith.constant 0 : i32
    %dma_wait3A_55 = tpu.memref_slice %arg6[%select_n3A, %mul3A_32, %dma_wait3A_54] : memref<4x2048x2560xf32, #tpu.memory_space<hbm>> -> memref<1x16x2560xf32, #tpu.memory_space<hbm>>
    %dma_wait3A_56 = tpu.memref_squeeze %dma_wait3A_55 : memref<1x16x2560xf32, #tpu.memory_space<hbm>> -> memref<16x2560xf32, #tpu.memory_space<hbm>>
    %dma_wait3A_57 = arith.constant 0 : i32
    %dma_wait3A_58 = arith.constant 0 : i32
    %dma_wait3A_59 = tpu.memref_slice %arg10[%dma_wait3A, %dma_wait3A_57, %dma_wait3A_58] : memref<2x16x2560xf32, #tpu.memory_space<vmem>> -> memref<1x16x2560xf32, #tpu.memory_space<vmem>>
    %dma_wait3A_60 = tpu.memref_squeeze %dma_wait3A_59 : memref<1x16x2560xf32, #tpu.memory_space<vmem>> -> memref<16x2560xf32, #tpu.memory_space<vmem>>
    tpu.wait_dma2 semaphore(%arg13 : memref<!tpu.dma_semaphore, #tpu.memory_space<semaphore_mem>>) src(%dma_wait3A_60 : memref<16x2560xf32, #tpu.memory_space<vmem>>) dst(%dma_wait3A_56 : memref<16x2560xf32, #tpu.memory_space<hbm>>)
    %dma_wait3A_61 = arith.constant 0 : i32
    %dma_wait3A_62 = arith.constant 0 : i32
    %dma_wait3A_63 = arith.constant 0 : i32
    %dma_wait3A_64 = tpu.memref_slice %arg10[%dma_wait3A_61, %dma_wait3A_62, %dma_wait3A_63] : memref<2x16x2560xf32, #tpu.memory_space<vmem>> -> memref<1x16x2560xf32, #tpu.memory_space<vmem>>
    %dma_wait3A_65 = tpu.memref_squeeze %dma_wait3A_64 : memref<1x16x2560xf32, #tpu.memory_space<vmem>> -> memref<16x2560xf32, #tpu.memory_space<vmem>>
    %dma_wait3A_66 = arith.constant 0 : i32
    %dma_wait3A_67 = tpu.memref_slice %arg6[%select_n3A, %mul3A_32, %dma_wait3A_66] : memref<4x2048x2560xf32, #tpu.memory_space<hbm>> -> memref<1x16x2560xf32, #tpu.memory_space<hbm>>
    %dma_wait3A_68 = tpu.memref_squeeze %dma_wait3A_67 : memref<1x16x2560xf32, #tpu.memory_space<hbm>> -> memref<16x2560xf32, #tpu.memory_space<hbm>>
    %dma_wait3A_69 = arith.constant 0 : i32
    %dma_wait3A_70 = tpu.memref_slice %arg6[%select_n3A, %mul3A_32, %dma_wait3A_69] : memref<4x2048x2560xf32, #tpu.memory_space<hbm>> -> memref<1x16x2560xf32, #tpu.memory_space<hbm>>
    %dma_wait3A_71 = tpu.memref_squeeze %dma_wait3A_70 : memref<1x16x2560xf32, #tpu.memory_space<hbm>> -> memref<16x2560xf32, #tpu.memory_space<hbm>>
    %dma_wait3A_72 = arith.constant 0 : i32
    %dma_wait3A_73 = arith.constant 0 : i32
    %dma_wait3A_74 = tpu.memref_slice %arg10[%dma_wait3A_61, %dma_wait3A_72, %dma_wait3A_73] : memref<2x16x2560xf32, #tpu.memory_space<vmem>> -> memref<1x16x2560xf32, #tpu.memory_space<vmem>>
    %dma_wait3A_75 = tpu.memref_squeeze %dma_wait3A_74 : memref<1x16x2560xf32, #tpu.memory_space<vmem>> -> memref<16x2560xf32, #tpu.memory_space<vmem>>
    tpu.wait_dma2 semaphore(%arg13 : memref<!tpu.dma_semaphore, #tpu.memory_space<semaphore_mem>>) src(%dma_wait3A_75 : memref<16x2560xf32, #tpu.memory_space<vmem>>) dst(%dma_wait3A_71 : memref<16x2560xf32, #tpu.memory_space<hbm>>)
    return
  }
}

</mosaic_0001>

<sc_bundles>
// kernel: kernel.3.cloned.1.call-start
scs
__scs_entry_jumppad:
0x0: {  	(pc) =	sbr.rel $0x88, $3  }
0x1: {  	(tag) =	ssettag $0x0;
	lr =	simm.s32 $0x1  }
0x2: {  	[smem:$0x3F9D] =	sst lr;
	_ =	strace $0xD0000000  }
0x3: {  	_ = 	snop  }
0x4: {  	_ = 	snop  }
0x5: {  	_ = 	snop  }
0x6: {  	_ = 	snop  }
0x7: {  	_ = 	snop  }
__scs_overlays_trampoline_lowered:
0x8: {  	[smem:$0x3FAC] =	sst s0  }
0x9: {  	[smem:$0x3FAD] =	sst s1  }
0xa: {  	[smem:$0x3FAE] =	sst s2  }
0xb: {  	[smem:$0x3FAF] =	sst s3  }
0xc: {  	[smem:$0x3FB0] =	sst s4  }
0xd: {  	[smem:$0x3FB1] =	sst s5  }
0xe: {  	[smem:$0x3FB2] =	sst s6  }
0xf: {  	[smem:$0x3FB3] =	sst s7  }
0x10: {  	[smem:$0x3FB4] =	sst s8  }
0x11: {  	[smem:$0x3FB5] =	sst s9;
	s0 =	simm.s32 @!p0 $0x0  }
0x12: {  	s1 =	sld [smem:$0x3F9B];
	s0 =	simm.s32 @p0 $0x1  }
0x13: {  	[smem:$0x3FB6] =	sst s0;
	s0 =	simm.s32 @!p1 $0x0  }
0x14: {  	s2 =	sld [smem:$0x3F9A];
	s0 =	simm.s32 @p1 $0x1  }
0x15: {  	[smem:$0x3FB7] =	sst s0;
	s0 =	simm.s32 @!p2 $0x0  }
0x16: {  	s3 =	sld [smem:$0x3FDB];
	s0 =	simm.s32 @p2 $0x1  }
0x17: {  	s4 =	simm.s32 $0x1BF5;
	[smem:$0x3FB9] =	sst s0  }
0x18: {  	s0 =	sld [smem:$0x3F9C];
	_ =	swait.ge [sflag:s4], $0x0  }
0x19: {  	s7 =	sld [smem:$0x3F9D]  }
0x1a: {  	s8 =	sadd.s32 $0xFFFFE003, lr  }
0x1b: {  	s9 =	sadd.s32 $0xFFFFFEF7, lr;
	s5 =	simm.s32 $0xFFFFFFFF;
	p2 =	slt.u32 s8, $0xFFFFF086  }
0x1c: {  	p1 =	slt.u32 s9, $0xF7A;
	s5 =	simm.s32 @!p2 $0x0  }
0x1d: {  	s5 =	simm.s32 @p1 $0x1;
	p0 =	seq.s32 s7, s2  }
0x1e: {  	s7 =	smul.u32 @!p0 $0xF7A, s2;
	p2 =	seq.s32 @!p0 s5, $0x0  }
0x1f: {  	s9 =	smul.u32 $0xF7A, s1;
	s8 =	simm.s32 @!p0 $0x1BF5;
	p2 =	por !p2, p0  }
0x20: {  	[sflag:s8] =	ssyncset.s32 @!p0 $0xFFFFF086;
	s6 =	sadd.s32 @!p0 s3, s7;
	s7 =	simm.s32 @!p0 $0x108  }
0x21: {  	s3 =	sadd.s32 s3, s9;
	s6 =	sadd.s32 @!p0 $0x88, s6;
	s7 =	simm.s32 @p2 $0x1082  }
0x22: {  	[simem:s7], [sflag:s8] =	dma.local @!p0 [hbm:s6], $0xF7A  }
0x23: {  	s9 =	sor.u32 $0xD0000000, s2;
	s6 =	simm.s32 $0x108;
	_ =	swait.ge @!p0 [sflag:s8], $0x0  }
0x24: {  	s3 =	sadd.s32 $0x88, s3;
	s6 =	simm.s32 @!p1 $0x1082;
	[sflag:s4] =	ssyncset.s32 $0xFFFFF086  }
0x25: {  	[simem:s6], [sflag:s4] =	dma.local [hbm:s3], $0xF7A  }
0x26: {  	[smem:$0x3F9D] =	sst s1;
	(tag) =	ssettag s2;
	_ =	strace s9  }
0x27: {  	s1 =	sld [smem:$0x3FAD]  }
0x28: {  	s2 =	sld [smem:$0x3FAE]  }
0x29: {  	s4 =	sld [smem:$0x3FB0]  }
0x2a: {  	p0 =	seq.s32 s5, $0x0;
	s5 =	sld [smem:$0x3FB1]  }
0x2b: {  	s6 =	sld [smem:$0x3FB2]  }
0x2c: {  	s7 =	sld [smem:$0x3FB3]  }
0x2d: {  	s3 =	simm.s32 $0x108;
	s8 =	sld [smem:$0x3FB4]  }
0x2e: {  	s3 =	simm.s32 @!p0 $0x1082;
	s9 =	sld [smem:$0x3FB5]  }
0x2f: {  	lr =	sadd.s32 s0, s3;
	s0 =	sld [smem:$0x3FAC]  }
0x30: {  	s3 =	sld [smem:$0x3FAF]  }
0x31: {  	[smem:$0x3FB8] =	sst s10  }
0x32: {  	s10 =	sld [smem:$0x3FB6];
	_ =	sdelay $0x3  }
0x33: {  	p0 =	seq.s32 s10, $0x1;
	s10 =	sld [smem:$0x3FB8];
	_ =	sdelay $0x3  }
0x34: {  	[smem:$0x3FB8] =	sst s10  }
0x35: {  	s10 =	sld [smem:$0x3FB7];
	_ =	sdelay $0x3  }
0x36: {  	p1 =	seq.s32 s10, $0x1;
	s10 =	sld [smem:$0x3FB8];
	_ =	sdelay $0x3  }
0x37: {  	[smem:$0x3FB8] =	sst s10  }
0x38: {  	s10 =	sld [smem:$0x3FB9]  }
0x39: {  	_ = 	snop;
	(pc) =	sbr.ind lr, $3  }
0x3a: {  	_ = 	snop  }
0x3b: {  	_ = 	snop  }
0x3c: {  	p2 =	seq.s32 s10, $0x1;
	s10 =	sld [smem:$0x3FB8]  }
0x3d: {  	_ =	shalt  }
0x3e: {  	_ =	shalt  }
0x3f: {  	_ =	shalt  }
0x40: {  	_ =	shalt  }
0x41: {  	_ =	shalt  }
0x42: {  	_ =	shalt  }
0x43: {  	_ =	shalt  }
0x44: {  	_ =	shalt  }
0x45: {  	_ =	shalt  }
0x46: {  	_ =	shalt  }
0x47: {  	_ =	shalt  }
0x48: {  	_ =	shalt  }
0x49: {  	_ =	shalt  }
0x4a: {  	_ =	shalt  }
0x4b: {  	_ =	shalt  }
0x4c: {  	_ =	shalt  }
0x4d: {  	_ =	shalt  }
0x4e: {  	_ =	shalt  }
0x4f: {  	_ =	shalt  }
0x50: {  	_ =	shalt  }
0x51: {  	_ =	shalt  }
0x52: {  	_ =	shalt  }
0x53: {  	_ =	shalt  }
0x54: {  	_ =	shalt  }
0x55: {  	_ =	shalt  }
0x56: {  	_ =	shalt  }
0x57: {  	_ =	shalt  }
0x58: {  	_ =	shalt  }
0x59: {  	_ =	shalt  }
0x5a: {  	_ =	shalt  }
0x5b: {  	_ =	shalt  }
0x5c: {  	_ =	shalt  }
0x5d: {  	_ =	shalt  }
0x5e: {  	_ =	shalt  }
0x5f: {  	_ =	shalt  }
0x60: {  	_ =	shalt  }
0x61: {  	_ =	shalt  }
0x62: {  	_ =	shalt  }
0x63: {  	_ =	shalt  }
0x64: {  	_ =	shalt  }
0x65: {  	_ =	shalt  }
0x66: {  	_ =	shalt  }
0x67: {  	_ =	shalt  }
0x68: {  	_ =	shalt  }
0x69: {  	_ =	shalt  }
0x6a: {  	_ =	shalt  }
0x6b: {  	_ =	shalt  }
0x6c: {  	_ =	shalt  }
0x6d: {  	_ =	shalt  }
0x6e: {  	_ =	shalt  }
0x6f: {  	_ =	shalt  }
0x70: {  	_ =	shalt  }
0x71: {  	_ =	shalt  }
0x72: {  	_ =	shalt  }
0x73: {  	_ =	shalt  }
0x74: {  	_ =	shalt  }
0x75: {  	_ =	shalt  }
0x76: {  	_ =	shalt  }
0x77: {  	_ =	shalt  }
0x78: {  	_ =	shalt  }
0x79: {  	_ =	shalt  }
0x7a: {  	_ =	shalt  }
0x7b: {  	_ =	shalt  }
0x7c: {  	_ =	shalt  }
0x7d: {  	_ =	shalt  }
0x7e: {  	_ =	shalt  }
0x7f: {  	_ =	shalt  }
0x80: {  	_ =	shalt  }
0x81: {  	_ =	shalt  }
0x82: {  	_ =	shalt  }
0x83: {  	_ =	shalt  }
0x84: {  	_ =	shalt  }
0x85: {  	_ =	shalt  }
0x86: {  	_ =	shalt  }
0x87: {  	_ =	shalt  }
.Lfunc_end0:
.L_simem_size_0:
called_computation_lowered:
.L_overlay_start_0:
0x88: {  	s2 =	sld [smem:$0x3FD9]  }
0x89: {  	s3 =	sld [smem:$0x3FFE];
	_ =	sdelay $0x1  }
0x8a: {  	s1 =	srdreg.scid  }
0x8b: {  	s0 =	sand.u32 $0x1, s1  }
0x8c: {  	s18 =	sshll.u32 s0, $0xA;
	s2 =	sadd.s32 s3, s2  }
0x8d: {  	s2 =	sadd.s32 s2, s18  }
0x8e: {  	[smem:$0x3FC4] =	sst s2  }
0x8f: {  	_ = 	snop  }
0x90: {  	s2 =	sld [smem:$0x3FC9]  }
0x91: {  	s19 =	sld [smem:$0x3FC8]  }
0x92: {  	s4 =	sld [smem:$0x3FC7]  }
0x93: {  	s5 =	sld [smem:$0x3FC6]  }
0x94: {  	s6 =	sld [smem:$0x3FD0];
	(tm) =	ssettm $0x1  }
0x95: {  	s7 =	sld [smem:$0x3FFB];
	_ =	sdelay $0x3  }
0x96: {  	_ =	strace s7  }
0x97: {  	s7 =	sld [smem:$0x3FFC];
	_ =	sdelay $0x3  }
0x98: {  	_ =	strace s7  }
0x99: {  	s7 =	sld [smem:$0x3FFD];
	_ =	sdelay $0x3  }
0x9a: {  	_ =	strace s7  }
0x9b: {  	_ =	strace $0x8FFFFFFF  }
0x9c: {  	s20 =	sld [smem:$0x3FDB];
	_ =	sdelay $0x1  }
0x9d: {  	s8 =	simm.s32 $_scs_section_size  }
0x9e: {  	s9 =	simm.s32 $_size__tile_overlayer_lowered;
	s10 =	simm.s32 $_tile_overlayer_lowered  }
0x9f: {  	s23 =	simm.s32 $0x1BFF;
	s22 =	sshll.u32 s10, $0x1;
	s7 =	sadd.s32 s8, s20  }
0xa0: {  	s11 =	simm.s32 $0x0;
	s21 =	sshll.u32 s9, $0x1;
	s9 =	sadd.s32 s22, s7  }
0xa1: {  	[timem:s11], [sflag:s23] =	dma.local [hbm:s9], s21  }
0xa2: {  	_ =	swait.ge [sflag:s23], s21  }
0xa3: {  	s8 =	ssub.s32 $0x0, s21;
	[sflag:s23] =	ssyncset.done $0x0  }
0xa4: {  	[sflag:s23] =	ssyncadd.s32 s8;
	_ =	sdelay $0x1  }
0xa5: {  	s24 =	simm.s32 $0x1B8B  }
0xa6: {  	_ =	swait.ge [sflag:s24], $0x1  }
0xa7: {  	[sflag:s24] =	ssyncset.done $0x0  }
0xa8: {  	s25 =	simm.s32 $0x1B8E;
	[sflag:s24] =	ssyncadd.s32 $0xFFFFFFFF  }
0xa9: {  	s26 =	simm.s32 $execute0_lowered;
	[smem:$0x3FD2] =	sst s25  }
0xaa: {  	s8 =	sshll.u32 s26, $0x1;
	_ =	strace $0x80000046;
	[dreg:$0x1] =	wrdreg $0xFFFFFFFF  }
0xab: {  	s28 =	simm.s32 $_size_execute0_lowered;
	s7 =	sadd.s32 s7, s8;
	[dreg:$0x0] =	wrdreg $0x0  }
0xac: {  	s8 =	sshll.u32 s28, $0x1;
	[dreg:$0x2] =	wrdreg s7  }
0xad: {  	[dreg:$0x3] =	wrdreg s8  }
0xae: {  	[dreg:$0x4] =	wrdreg $0xC0  }
0xaf: {  	_ =	task [dreg:s11], $0x5FFFF  }
0xb0: {  	[dreg:$0x1] =	wrdreg $0xFFFFFFFF  }
0xb1: {  	[dreg:$0x0] =	wrdreg $0x60  }
0xb2: {  	[dreg:$0x2] =	wrdreg s2  }
0xb3: {  	[dreg:$0x3] =	wrdreg s5  }
0xb4: {  	[dreg:$0x4] =	wrdreg s4  }
0xb5: {  	[dreg:$0x5] =	wrdreg s19  }
0xb6: {  	[dreg:$0x6] =	wrdreg s6  }
0xb7: {  	[dreg:$0x7] =	wrdreg $0x169800  }
0xb8: {  	[dreg:$0x8] =	wrdreg $0x9  }
0xb9: {  	_ =	task.clear_ibuf [dreg:s11], $0x9FFFF;
	_ =	strace $0x90000046  }
0xba: {  	s29 =	simm.s32 $0x9;
	_ =	strace $0x80000048  }
0xbb: {  	_ =	swait.ge [sflag:s29], $0x1  }
0xbc: {  	[sflag:s29] =	ssyncadd.s32 $0xFFFFFFFF  }
0xbd: {  	_ =	strace $0x90000048  }
0xbe: {  	_ =	sfence  }
0xbf: {  	s30 =	sld [smem:$0x0];
	_ =	sdelay $0x2  }
0xc0: {  	s31 =	sshll.u32 s1, $0xD;
	s1 =	sshrl.u32 s1, $0x2  }
0xc1: {  	s3 =	sand.u32 $0x4000, s31;
	s1 =	sadd.s32 s1, s30  }
0xc2: {  	s0 =	sor.u32 s3, s0;
	s1 =	sshll.u32 s1, $0x11  }
0xc3: {  	s0 =	sor.u32 s1, s0  }
0xc4: {  	s0 =	sadd.s32 $0x8F2B, s0  }
0xc5: {  	[sflag:s0] =	ssyncadd.remote.s32 $0x1  }
0xc6: {  	_ =	sfence.sel $0xFFFF  }
0xc7: {  	[dreg:$0x0] =	wrdreg $0xFFFFFFFF;
	(pc) =	sbr.abs _section_cstart, $3  }
0xc8: {  	[dreg:$0x1] =	wrdreg $0xFFFFFFFF  }
0xc9: {  	_ =	task.clear_ibuf [dreg:s11], $0x2FFFF;
	_ =	strace $0x9FFFFFFF  }
0xca: {  	(tm) =	ssettm $0x7FFFFFFF  }
0xcb: {  	_ =	shalt  }
tec
execute0_lowered:
.L_overlay_start_1:
0x0: {  	(tag) =	ssettag $0x1  }
0x1: {  	s0 =	rddreg [dreg:$0x0]  }
0x2: {  	s3 =	rddreg [dreg:$0x1]  }
0x3: {  	s6 =	rddreg [dreg:$0x2]  }
0x4: {  	s1 =	rddreg [dreg:$0x3]  }
0x5: {  	s12 =	rddreg [dreg:$0x4]  }
0x6: {  	s2 =	rddreg [dreg:$0x5]  }
0x7: {  	s4 =	simm.s32 $0x0;
	s5 =	srdreg.scid;
	s22 =	stileid.u32  }
0x8: {  	s19 =	simm.s32 $0x80;
	s20 =	simm.s32 $0x200;
	s29 =	simm.s32 $0xA000  }
0x9: {  	s30 =	simm.s32 $0x1;
	s31 =	simm.s32 $0x2;
	[smem:$0x7FF] =	sst s4  }
0xa: {  	s8 =	sand.u32 $0x1, s5;
	s21 =	sshll.u32 s22, $0x1;
	s10 =	sshrl.u32 s22, $0x2  }
0xb: {  	s23 =	sadd.s32 $0x8, s3;
	s24 =	sand.u32 $0x3, s22;
	s14 =	smul.u32 $0x14000, s22  }
0xc: {  	s18 =	sadd.s32 $0x28000, s2;
	s26 =	sadd.s32 $0x2A800, s2;
	s16 =	smul.u32 $0x500, s22  }
0xd: {  	s13 =	sadd.s32 s3, s22;
	p0 =	sgt.u32 s22, $0x7;
	p1 =	sne.s32 s22, $0x8  }
0xe: {  	_ =	strace $0x80000047;
	s7 =	ssub.s32 $0x2, s8;
	s5 =	sand.u32 $0x6, s21  }
0xf: {  	s11 =	sshll.u32 s10, $0x4;
	[dreg:$0x8] =	wrdreg s23;
	s25 =	sshll.u32 s8, $0x8  }
0x10: {  	s15 =	smul.u32 $0x500000, s10;
	s10 =	sadd.s32 $0x400, s1;
	s5 =	sor.u32 s8, s5  }
0x11: {  	[dreg:$0x9] =	wrdreg s26;
	s0 =	sadd.s32 s0, s11;
	s5 =	sshll.u32 s5, $0x7  }
0x12: {  	s21 =	simm.s32 $0x3;
	s5 =	sadd.s32 s5, s0;
	s0 =	sshll.u32 s24, $0x9  }
0x13: {  	s23 =	simm.s32 $0x180;
	[dreg:$0x7] =	wrdreg s29;
	s0 =	sor.u32 s25, s0  }
0x14: {  	s9 =	sshrl.u32 s7, $0x1;
	s8 =	sadd.s32 $0x200, s1;
	s0 =	sshrl.u32 s0, $0x3  }
0x15: {  	s11 =	sadd.s32 $0x2800, s6;
	s28 =	sshrl.u32 s14, $0x2;
	s0 =	smul.u32 $0x5000, s0  }
0x16: {  	s14 =	sadd.s32 s6, s16;
	s17 =	ssub.s32 s7, s9;
	s7 =	sadd.s32 $0x100, s1  }
0x17: {  	v1 =	vlaneseq.u32;
	s9 =	sadd.s32 $0x300, s1;
	s17 =	smax.u32 s17, $0x1;
	s0 =	sadd.s32 s0, s15  }
0x18: {  	v0 =	vand.u32 $0x7, v1;
	v1 =	vshrl.u32 v1, $0x3;
	s25 =	sshrl.u32 s18, $0x3;
	s15 =	sadd.s32 s28, s2;
	s0 =	sshrl.u32 s0, $0x3  }
0x19: {  	vm0 =	vmmov $0xffff;
	v2 =	vimm.s32 $0x0;
	v1 =	vmul.u32 $0x8, v1;
	s16 =	sadd.s32 $0x2800, s15;
	s12 =	sadd.s32 s0, s12;
	s0 =	simm.s32 $0x0  }
.LBB2_1:
.Ltmp0:
0x1a: {  	(pc) =	sbr.rel @p0 .LBB2_3-.Ltmp0, $4  }
0x1b: {  	[tilespmem:s4], [sflag:$0x3] =	stream.strided.gather [hbm4b:s5+s19], $0x100, s20, s19, $0x38;
	[tilespmem:$0x19680] =	vst v63  }
0x1c: {  	_ =	swait.ge [sflag:s21], $0x100  }
0x1d: {  	[sflag:s21] =	ssyncset.done $0x0  }
0x1e: {  	[sflag:s21] =	ssyncadd.s32 $0xFFFFFF00  }
0x1f: {  	s1 =	simm.s32 $0x100  }
0x20: {  	[tilespmem:s1], [sflag:$0x3] =	stream.linear.gather [hbm4b:s13+s4], $0x8, $0x38;
	[tilespmem:$0x19680] =	vst v63  }
0x21: {  	_ =	swait.ge [sflag:s21], $0x8  }
0x22: {  	[sflag:s21] =	ssyncset.done $0x0  }
0x23: {  	[sflag:s21] =	ssyncadd.s32 $0xFFFFFFF8  }
0x24: {  	v3 =	vld.msk [tilespmem:$0x100], $0xff;
	_ =	sdelay $0x4  }
0x25: {  	v4 =	vshrl.u32 v3, $0x3  }
0x26: {  	v4 =	vmul.u32 $0x50, v4  }
0x27: {  	v3 =	vand.u32 $0x7, v3  }
0x28: {  	v3 =	vor.u32 v3, v4  }
0x29: {  	v3 =	vperm.xlane v3, v0;
	_ =	sdelay $0x1  }
0x2a: {  	v3 =	vadd.s32 v1, v3;
	_ =	sdelay $0x3  }
0x2b: {  	s18 =	rddreg [dreg:$0x3]  }
0x2c: {  	[tilespmem:s23], [sflag:$0x1] =	stream.indirect_vreg.gather [hbm4b:s18+s4], $0x80, v3, vm0, $0xb8;
	[tilespmem:$0x19680] =	vst v63  }
0x2d: {  	s22 =	simm.s32 $0x980  }
0x2e: {  	[tilespmem:s22], [sflag:$0x1] =	stream.indirect_vreg.gather [hbm4b:s7+s4], $0x80, v3, vm0, $0xb8;
	[tilespmem:$0x19680] =	vst v63  }
0x2f: {  	s24 =	simm.s32 $0x1180  }
0x30: {  	[tilespmem:s24], [sflag:$0x1] =	stream.indirect_vreg.gather [hbm4b:s8+s4], $0x80, v3, vm0, $0xb8;
	[tilespmem:$0x19680] =	vst v63  }
0x31: {  	s26 =	simm.s32 $0x1980;
	s29 =	stileid.u32  }
0x32: {  	[tilespmem:s26], [sflag:$0x1] =	stream.indirect_vreg.gather [hbm4b:s9+s4], $0x80, v3, vm0, $0xb8;
	[tilespmem:$0x19680] =	vst v63  }
0x33: {  	s28 =	simm.s32 $0x2180;
	s3 =	sshll.u32 s29, $0x6  }
0x34: {  	[tilespmem:s28], [sflag:$0x1] =	stream.indirect_vreg.gather [hbm4b:s10+s4], $0x80, v3, vm0, $0xb8;
	[tilespmem:$0x19680] =	vst v63  }
.Ltmp1:
0x35: {  	s6 =	sshrl.u32 s15, $0x3;
	s3 =	sor.u32 $0x1C03, s3;
	(pc) =	sbr.rel .LBB2_5-.Ltmp1, $4  }
0x36: {  	[spmem:s6], [sflag:s3] =	dma.local [hbm:s14], $0x500  }
0x37: {  	_ =	swait.ge [sflag:s21], $0x500  }
0x38: {  	[sflag:s21] =	ssyncset.done $0x0  }
0x39: {  	s3 =	smov.u32 s16;
	[sflag:s21] =	ssyncadd.s32 $0xFFFFFB00  }
.LBB2_3:
.Ltmp2:
0x3a: {  	(pc) =	sbr.rel @p1 .LBB2_6-.Ltmp2, $1  }
0x3b: {  	_ =	sdelay $0x3  }
0x3c: {  	[tilespmem:$0x100] =	vst v2;
	s1 =	rddreg [dreg:$0x8];
	s3 =	simm.s32 $0x100  }
0x3d: {  	[tilespmem:s3], [sflag:$0x3] =	stream.linear.gather [hbm4b:s1+s4], $0x6, $0x38;
	[tilespmem:$0x19680] =	vst v63  }
0x3e: {  	_ =	swait.ge [sflag:s21], $0x6  }
0x3f: {  	[sflag:s21] =	ssyncset.done $0x0  }
0x40: {  	[sflag:s21] =	ssyncadd.s32 $0xFFFFFFFA  }
0x41: {  	v3 =	vld.msk [tilespmem:$0x100], $0xff;
	_ =	sdelay $0x4  }
0x42: {  	v4 =	vshrl.u32 v3, $0x3  }
0x43: {  	v4 =	vmul.u32 $0x50, v4  }
0x44: {  	v3 =	vand.u32 $0x7, v3  }
0x45: {  	v3 =	vor.u32 v3, v4  }
0x46: {  	v3 =	vperm.xlane v3, v0;
	_ =	sdelay $0x1  }
0x47: {  	v3 =	vadd.s32 v1, v3;
	_ =	sdelay $0x3  }
0x48: {  	s3 =	rddreg [dreg:$0x3]  }
0x49: {  	[tilespmem:s23], [sflag:$0x1] =	stream.indirect_vreg.gather [hbm4b:s3+s4], $0x80, v3, vm0, $0xb8;
	[tilespmem:$0x19680] =	vst v63  }
0x4a: {  	s6 =	simm.s32 $0x980  }
0x4b: {  	[tilespmem:s6], [sflag:$0x1] =	stream.indirect_vreg.gather [hbm4b:s7+s4], $0x80, v3, vm0, $0xb8;
	[tilespmem:$0x19680] =	vst v63  }
0x4c: {  	s18 =	simm.s32 $0x1180  }
0x4d: {  	[tilespmem:s18], [sflag:$0x1] =	stream.indirect_vreg.gather [hbm4b:s8+s4], $0x80, v3, vm0, $0xb8;
	[tilespmem:$0x19680] =	vst v63  }
0x4e: {  	s22 =	simm.s32 $0x1980;
	s24 =	simm.s32 $0x2180;
	s26 =	simm.s32 $0x50  }
0x4f: {  	[tilespmem:s22], [sflag:$0x1] =	stream.indirect_vreg.gather [hbm4b:s9+s4], $0x80, v3, vm0, $0xb8;
	[tilespmem:$0x19680] =	vst v63  }
0x50: {  	s28 =	simm.s32 $0x500;
	s29 =	simm.s32 $0x6;
	s6 =	simm.s32 $0x1E03  }
0x51: {  	[tilespmem:s24], [sflag:$0x1] =	stream.indirect_vreg.gather [hbm4b:s10+s4], $0x80, v3, vm0, $0xb8;
	[tilespmem:$0x19680] =	vst v63  }
0x52: {  	[spmem:s25@s19], [sflag:s6] =	dma.strided [hbm:s11@s28], $0x0, s26, $0x10   }
0x53: {  	[spmem:s25@s19], [sflag:s6] =	dma.strided [hbm:s11@s19], $0x3C0, s29, $0x10   }
0x54: {  	_ =	swait.ge [sflag:s21], $0x3C0  }
0x55: {  	[sflag:s21] =	ssyncset.done $0x0  }
0x56: {  	s3 =	rddreg [dreg:$0x9];
	[sflag:s21] =	ssyncadd.s32 $0xFFFFFC40  }
.LBB2_5:
0x57: {  	_ =	swait.ge [sflag:s30], $0x2800  }
0x58: {  	[sflag:s30] =	ssyncset.done $0x0  }
0x59: {  	[sflag:s30] =	ssyncadd.s32 $0xFFFFD800  }
0x5a: {  	[spmem:s3] =	stream.linear.scatter [tilespmem:s23], [sflag:$0x3], $0x2800, $0x38;
	[tilespmem:$0x19680] =	vst v63  }
0x5b: {  	_ =	swait.ge [sflag:s21], $0x2800  }
0x5c: {  	[sflag:s21] =	ssyncset.done $0x0  }
0x5d: {  	[sflag:s21] =	ssyncadd.s32 $0xFFFFD800  }
.LBB2_6:
0x5e: {  	[bflag:$0x0] =	sbarrier.arrive $0xFFFF  }
0x5f: {  	s6 =	simm.s32 $0x0;
	s18 =	smov.u32 s12;
	s22 =	simm.s32 $0x0  }
.LBB2_7:
0x60: {  	p2 =	slt.u32 s22, $0x2  }
0x61: {  	s3 =	simm.s32 @!p2 $0x2  }
0x62: {  	_ =	swait.ge @!p2 [sflag:s3], $0xA000  }
0x63: {  	[sflag:s3] =	ssyncset.done @!p2 $0x0  }
0x64: {  	[sflag:s3] =	ssyncadd.s32 @!p2 $0xFFFF6000  }
0x65: {  	v3 =	vld [tilespmem:s6+$0x0];
	_ =	sdelay $0x4  }
0x66: {  	(v2sf) =	vpush v3, $0x0;
	_ =	sdelay $0xe  }
0x67: {  	s1 =	spop (v2sf)  }
0x68: {  	s26 =	sshrl.u32 s1, $0x3  }
0x69: {  	s26 =	smul.u32 $0x14000, s26  }
0x6a: {  	s28 =	sand.u32 $0x1, s22;
	s24 =	rddreg [dreg:$0x7]  }
0x6b: {  	p2 =	seq.s32 s28, $0x1;
	s3 =	sshll.u32 s1, $0x7;
	s26 =	sshra.s32 s26, $0x2  }
0x6c: {  	s24 =	simm.s32 @!p2 $0x0;
	s29 =	sand.u32 $0x380, s3;
	s26 =	sadd.s32 s26, s2  }
0x6d: {  	s3 =	sadd.s32 $0x2980, s24;
	s26 =	sadd.s32 s29, s26  }
0x6e: {  	[tilespmem:s3], [sflag:$0x1] =	stream.linear.gather [spmem:s26], $0x80, $0x38;
	[tilespmem:$0x19680] =	vst v63  }
0x6f: {  	s29 =	sadd.s32 $0x2D80, s24;
	s28 =	sadd.s32 $0x400, s26  }
0x70: {  	[tilespmem:s29], [sflag:$0x1] =	stream.linear.gather [spmem:s28], $0x80, $0x38;
	[tilespmem:$0x19680] =	vst v63  }
0x71: {  	s1 =	sadd.s32 $0x3180, s24;
	s28 =	sadd.s32 $0x800, s26  }
0x72: {  	[tilespmem:s1], [sflag:$0x1] =	stream.linear.gather [spmem:s28], $0x80, $0x38;
	[tilespmem:$0x19680] =	vst v63  }
0x73: {  	s28 =	sadd.s32 $0xC00, s26;
	s1 =	sadd.s32 $0x3580, s24  }
0x74: {  	[tilespmem:s1], [sflag:$0x1] =	stream.linear.gather [spmem:s28], $0x80, $0x38;
	[tilespmem:$0x19680] =	vst v63  }
0x75: {  	s28 =	sadd.s32 $0x1000, s26;
	s1 =	sadd.s32 $0x3980, s24  }
0x76: {  	[tilespmem:s1], [sflag:$0x1] =	stream.linear.gather [spmem:s28], $0x80, $0x38;
	[tilespmem:$0x19680] =	vst v63  }
0x77: {  	s28 =	sadd.s32 $0x1400, s26;
	s1 =	sadd.s32 $0x3D80, s24  }
0x78: {  	[tilespmem:s1], [sflag:$0x1] =	stream.linear.gather [spmem:s28], $0x80, $0x38;
	[tilespmem:$0x19680] =	vst v63  }
0x79: {  	s28 =	sadd.s32 $0x1800, s26;
	s1 =	sor.u32 $0x4180, s24  }
0x7a: {  	[tilespmem:s1], [sflag:$0x1] =	stream.linear.gather [spmem:s28], $0x80, $0x38;
	[tilespmem:$0x19680] =	vst v63  }
0x7b: {  	s28 =	sadd.s32 $0x1C00, s26;
	s1 =	sor.u32 $0x4580, s24  }
0x7c: {  	[tilespmem:s1], [sflag:$0x1] =	stream.linear.gather [spmem:s28], $0x80, $0x38;
	[tilespmem:$0x19680] =	vst v63  }
0x7d: {  	s28 =	sadd.s32 $0x2000, s26;
	s1 =	sor.u32 $0x4980, s24  }
0x7e: {  	[tilespmem:s1], [sflag:$0x1] =	stream.linear.gather [spmem:s28], $0x80, $0x38;
	[tilespmem:$0x19680] =	vst v63  }
0x7f: {  	s28 =	sadd.s32 $0x2400, s26;
	s1 =	sor.u32 $0x4D80, s24  }
0x80: {  	[tilespmem:s1], [sflag:$0x1] =	stream.linear.gather [spmem:s28], $0x80, $0x38;
	[tilespmem:$0x19680] =	vst v63  }
0x81: {  	s28 =	sadd.s32 $0x2800, s26;
	s1 =	sor.u32 $0x5180, s24  }
0x82: {  	[tilespmem:s1], [sflag:$0x1] =	stream.linear.gather [spmem:s28], $0x80, $0x38;
	[tilespmem:$0x19680] =	vst v63  }
0x83: {  	s28 =	sadd.s32 $0x2C00, s26;
	s1 =	sor.u32 $0x5580, s24  }
0x84: {  	(v2sf) =	vpush v3, $0x1;
	[tilespmem:s1], [sflag:$0x1] =	stream.linear.gather [spmem:s28], $0x80, $0x38;
	[tilespmem:$0x19680] =	vst v63  }
0x85: {  	s28 =	sadd.s32 $0x3000, s26;
	s1 =	sor.u32 $0x5980, s24  }
0x86: {  	[tilespmem:s1], [sflag:$0x1] =	stream.linear.gather [spmem:s28], $0x80, $0x38;
	[tilespmem:$0x19680] =	vst v63  }
0x87: {  	s28 =	sadd.s32 $0x3400, s26;
	s1 =	sor.u32 $0x5D80, s24  }
0x88: {  	[tilespmem:s1], [sflag:$0x1] =	stream.linear.gather [spmem:s28], $0x80, $0x38;
	[tilespmem:$0x19680] =	vst v63  }
0x89: {  	s28 =	sadd.s32 $0x3800, s26;
	s1 =	sadd.s32 $0x6180, s24  }
0x8a: {  	[tilespmem:s1], [sflag:$0x1] =	stream.linear.gather [spmem:s28], $0x80, $0x38;
	[tilespmem:$0x19680] =	vst v63  }
0x8b: {  	s28 =	sadd.s32 $0x3C00, s26;
	s1 =	sadd.s32 $0x6580, s24  }
0x8c: {  	[tilespmem:s1], [sflag:$0x1] =	stream.linear.gather [spmem:s28], $0x80, $0x38;
	[tilespmem:$0x19680] =	vst v63  }
0x8d: {  	s28 =	sadd.s32 $0x4000, s26;
	s1 =	sadd.s32 $0x6980, s24  }
0x8e: {  	[tilespmem:s1], [sflag:$0x1] =	stream.linear.gather [spmem:s28], $0x80, $0x38;
	[tilespmem:$0x19680] =	vst v63  }
0x8f: {  	s28 =	sadd.s32 $0x4400, s26;
	s1 =	sadd.s32 $0x6D80, s24  }
0x90: {  	[tilespmem:s1], [sflag:$0x1] =	stream.linear.gather [spmem:s28], $0x80, $0x38;
	[tilespmem:$0x19680] =	vst v63  }
0x91: {  	s28 =	sadd.s32 $0x4800, s26;
	s1 =	sadd.s32 $0x7180, s24  }
0x92: {  	[tilespmem:s1], [sflag:$0x1] =	stream.linear.gather [spmem:s28], $0x80, $0x38;
	[tilespmem:$0x19680] =	vst v63  }
0x93: {  	s28 =	spop (v2sf)  }
0x94: {  	s29 =	sshrl.u32 s28, $0x3  }
0x95: {  	s26 =	sadd.s32 $0x4C00, s26;
	s1 =	sadd.s32 $0x7580, s24;
	s29 =	smul.u32 $0x14000, s29  }
0x96: {  	[tilespmem:s1], [sflag:$0x1] =	stream.linear.gather [spmem:s26], $0x80, $0x38;
	[tilespmem:$0x19680] =	vst v63  }
0x97: {  	s26 =	sshll.u32 s28, $0x7;
	s28 =	sshra.s32 s29, $0x2  }
0x98: {  	s1 =	sand.u32 $0x380, s26;
	s26 =	sadd.s32 s28, s2  }
0x99: {  	s29 =	sadd.s32 $0x2A00, s24;
	s1 =	sadd.s32 s1, s26  }
0x9a: {  	[tilespmem:s29], [sflag:$0x1] =	stream.linear.gather [spmem:s1], $0x80, $0x38;
	[tilespmem:$0x19680] =	vst v63  }
0x9b: {  	s26 =	sadd.s32 $0x400, s1;
	s29 =	sadd.s32 $0x2E00, s24  }
0x9c: {  	[tilespmem:s29], [sflag:$0x1] =	stream.linear.gather [spmem:s26], $0x80, $0x38;
	[tilespmem:$0x19680] =	vst v63  }
0x9d: {  	s26 =	sadd.s32 $0x800, s1;
	s29 =	sadd.s32 $0x3200, s24  }
0x9e: {  	[tilespmem:s29], [sflag:$0x1] =	stream.linear.gather [spmem:s26], $0x80, $0x38;
	[tilespmem:$0x19680] =	vst v63  }
0x9f: {  	s26 =	sadd.s32 $0xC00, s1;
	s29 =	sadd.s32 $0x3600, s24  }
0xa0: {  	[tilespmem:s29], [sflag:$0x1] =	stream.linear.gather [spmem:s26], $0x80, $0x38;
	[tilespmem:$0x19680] =	vst v63  }
0xa1: {  	s26 =	sadd.s32 $0x1000, s1;
	s29 =	sadd.s32 $0x3A00, s24  }
0xa2: {  	[tilespmem:s29], [sflag:$0x1] =	stream.linear.gather [spmem:s26], $0x80, $0x38;
	[tilespmem:$0x19680] =	vst v63  }
0xa3: {  	s26 =	sadd.s32 $0x1400, s1;
	s29 =	sadd.s32 $0x3E00, s24  }
0xa4: {  	[tilespmem:s29], [sflag:$0x1] =	stream.linear.gather [spmem:s26], $0x80, $0x38;
	[tilespmem:$0x19680] =	vst v63  }
0xa5: {  	s26 =	sadd.s32 $0x1800, s1;
	s29 =	sor.u32 $0x4200, s24  }
0xa6: {  	[tilespmem:s29], [sflag:$0x1] =	stream.linear.gather [spmem:s26], $0x80, $0x38;
	[tilespmem:$0x19680] =	vst v63  }
0xa7: {  	s26 =	sadd.s32 $0x1C00, s1;
	s29 =	sor.u32 $0x4600, s24  }
0xa8: {  	[tilespmem:s29], [sflag:$0x1] =	stream.linear.gather [spmem:s26], $0x80, $0x38;
	[tilespmem:$0x19680] =	vst v63  }
0xa9: {  	s26 =	sadd.s32 $0x2000, s1;
	s29 =	sor.u32 $0x4A00, s24  }
0xaa: {  	[tilespmem:s29], [sflag:$0x1] =	stream.linear.gather [spmem:s26], $0x80, $0x38;
	[tilespmem:$0x19680] =	vst v63  }
0xab: {  	s26 =	sadd.s32 $0x2400, s1;
	s29 =	sor.u32 $0x4E00, s24  }
0xac: {  	[tilespmem:s29], [sflag:$0x1] =	stream.linear.gather [spmem:s26], $0x80, $0x38;
	[tilespmem:$0x19680] =	vst v63  }
0xad: {  	s26 =	sadd.s32 $0x2800, s1;
	s29 =	sor.u32 $0x5200, s24  }
0xae: {  	[tilespmem:s29], [sflag:$0x1] =	stream.linear.gather [spmem:s26], $0x80, $0x38;
	[tilespmem:$0x19680] =	vst v63  }
0xaf: {  	s26 =	sadd.s32 $0x2C00, s1;
	s29 =	sor.u32 $0x5600, s24  }
0xb0: {  	(v2sf) =	vpush v3, $0x2;
	[tilespmem:s29], [sflag:$0x1] =	stream.linear.gather [spmem:s26], $0x80, $0x38;
	[tilespmem:$0x19680] =	vst v63  }
0xb1: {  	s26 =	sadd.s32 $0x3000, s1;
	s29 =	sor.u32 $0x5A00, s24  }
0xb2: {  	[tilespmem:s29], [sflag:$0x1] =	stream.linear.gather [spmem:s26], $0x80, $0x38;
	[tilespmem:$0x19680] =	vst v63  }
0xb3: {  	s26 =	sadd.s32 $0x3400, s1;
	s29 =	sor.u32 $0x5E00, s24  }
0xb4: {  	[tilespmem:s29], [sflag:$0x1] =	stream.linear.gather [spmem:s26], $0x80, $0x38;
	[tilespmem:$0x19680] =	vst v63  }
0xb5: {  	s26 =	sadd.s32 $0x3800, s1;
	s29 =	sadd.s32 $0x6200, s24  }
0xb6: {  	[tilespmem:s29], [sflag:$0x1] =	stream.linear.gather [spmem:s26], $0x80, $0x38;
	[tilespmem:$0x19680] =	vst v63  }
0xb7: {  	s26 =	sadd.s32 $0x3C00, s1;
	s29 =	sadd.s32 $0x6600, s24  }
0xb8: {  	[tilespmem:s29], [sflag:$0x1] =	stream.linear.gather [spmem:s26], $0x80, $0x38;
	[tilespmem:$0x19680] =	vst v63  }
0xb9: {  	s26 =	sadd.s32 $0x4000, s1;
	s29 =	sadd.s32 $0x6A00, s24  }
0xba: {  	[tilespmem:s29], [sflag:$0x1] =	stream.linear.gather [spmem:s26], $0x80, $0x38;
	[tilespmem:$0x19680] =	vst v63  }
0xbb: {  	s26 =	sadd.s32 $0x4400, s1;
	s29 =	sadd.s32 $0x6E00, s24  }
0xbc: {  	[tilespmem:s29], [sflag:$0x1] =	stream.linear.gather [spmem:s26], $0x80, $0x38;
	[tilespmem:$0x19680] =	vst v63  }
0xbd: {  	s26 =	sadd.s32 $0x4800, s1;
	s29 =	sadd.s32 $0x7200, s24  }
0xbe: {  	[tilespmem:s29], [sflag:$0x1] =	stream.linear.gather [spmem:s26], $0x80, $0x38;
	[tilespmem:$0x19680] =	vst v63  }
0xbf: {  	s26 =	spop (v2sf)  }
0xc0: {  	s28 =	sshrl.u32 s26, $0x3  }
0xc1: {  	s1 =	sadd.s32 $0x4C00, s1;
	s29 =	sadd.s32 $0x7600, s24;
	s28 =	smul.u32 $0x14000, s28  }
0xc2: {  	[tilespmem:s29], [sflag:$0x1] =	stream.linear.gather [spmem:s1], $0x80, $0x38;
	[tilespmem:$0x19680] =	vst v63  }
0xc3: {  	s26 =	sshll.u32 s26, $0x7;
	s28 =	sshra.s32 s28, $0x2  }
0xc4: {  	s1 =	sand.u32 $0x380, s26;
	s26 =	sadd.s32 s28, s2  }
0xc5: {  	s29 =	sadd.s32 $0x2A80, s24;
	s1 =	sadd.s32 s1, s26  }
0xc6: {  	[tilespmem:s29], [sflag:$0x1] =	stream.linear.gather [spmem:s1], $0x80, $0x38;
	[tilespmem:$0x19680] =	vst v63  }
0xc7: {  	s26 =	sadd.s32 $0x400, s1;
	s29 =	sadd.s32 $0x2E80, s24  }
0xc8: {  	[tilespmem:s29], [sflag:$0x1] =	stream.linear.gather [spmem:s26], $0x80, $0x38;
	[tilespmem:$0x19680] =	vst v63  }
0xc9: {  	s26 =	sadd.s32 $0x800, s1;
	s29 =	sadd.s32 $0x3280, s24  }
0xca: {  	[tilespmem:s29], [sflag:$0x1] =	stream.linear.gather [spmem:s26], $0x80, $0x38;
	[tilespmem:$0x19680] =	vst v63  }
0xcb: {  	s26 =	sadd.s32 $0xC00, s1;
	s29 =	sadd.s32 $0x3680, s24  }
0xcc: {  	[tilespmem:s29], [sflag:$0x1] =	stream.linear.gather [spmem:s26], $0x80, $0x38;
	[tilespmem:$0x19680] =	vst v63  }
0xcd: {  	s26 =	sadd.s32 $0x1000, s1;
	s29 =	sadd.s32 $0x3A80, s24  }
0xce: {  	[tilespmem:s29], [sflag:$0x1] =	stream.linear.gather [spmem:s26], $0x80, $0x38;
	[tilespmem:$0x19680] =	vst v63  }
0xcf: {  	s26 =	sadd.s32 $0x1400, s1;
	s29 =	sadd.s32 $0x3E80, s24  }
0xd0: {  	[tilespmem:s29], [sflag:$0x1] =	stream.linear.gather [spmem:s26], $0x80, $0x38;
	[tilespmem:$0x19680] =	vst v63  }
0xd1: {  	s26 =	sadd.s32 $0x1800, s1;
	s29 =	sor.u32 $0x4280, s24  }
0xd2: {  	[tilespmem:s29], [sflag:$0x1] =	stream.linear.gather [spmem:s26], $0x80, $0x38;
	[tilespmem:$0x19680] =	vst v63  }
0xd3: {  	s26 =	sadd.s32 $0x1C00, s1;
	s29 =	sor.u32 $0x4680, s24  }
0xd4: {  	[tilespmem:s29], [sflag:$0x1] =	stream.linear.gather [spmem:s26], $0x80, $0x38;
	[tilespmem:$0x19680] =	vst v63  }
0xd5: {  	s26 =	sadd.s32 $0x2000, s1;
	s29 =	sor.u32 $0x4A80, s24  }
0xd6: {  	[tilespmem:s29], [sflag:$0x1] =	stream.linear.gather [spmem:s26], $0x80, $0x38;
	[tilespmem:$0x19680] =	vst v63  }
0xd7: {  	s26 =	sadd.s32 $0x2400, s1;
	s29 =	sor.u32 $0x4E80, s24  }
0xd8: {  	[tilespmem:s29], [sflag:$0x1] =	stream.linear.gather [spmem:s26], $0x80, $0x38;
	[tilespmem:$0x19680] =	vst v63  }
0xd9: {  	s26 =	sadd.s32 $0x2800, s1;
	s29 =	sor.u32 $0x5280, s24  }
0xda: {  	[tilespmem:s29], [sflag:$0x1] =	stream.linear.gather [spmem:s26], $0x80, $0x38;
	[tilespmem:$0x19680] =	vst v63  }
0xdb: {  	s26 =	sadd.s32 $0x2C00, s1;
	s29 =	sor.u32 $0x5680, s24  }
0xdc: {  	(v2sf) =	vpush v3, $0x3;
	[tilespmem:s29], [sflag:$0x1] =	stream.linear.gather [spmem:s26], $0x80, $0x38;
	[tilespmem:$0x19680] =	vst v63  }
0xdd: {  	s26 =	sadd.s32 $0x3000, s1;
	s29 =	sor.u32 $0x5A80, s24  }
0xde: {  	[tilespmem:s29], [sflag:$0x1] =	stream.linear.gather [spmem:s26], $0x80, $0x38;
	[tilespmem:$0x19680] =	vst v63  }
0xdf: {  	s26 =	sadd.s32 $0x3400, s1;
	s29 =	sor.u32 $0x5E80, s24  }
0xe0: {  	[tilespmem:s29], [sflag:$0x1] =	stream.linear.gather [spmem:s26], $0x80, $0x38;
	[tilespmem:$0x19680] =	vst v63  }
0xe1: {  	s26 =	sadd.s32 $0x3800, s1;
	s29 =	sadd.s32 $0x6280, s24  }
0xe2: {  	[tilespmem:s29], [sflag:$0x1] =	stream.linear.gather [spmem:s26], $0x80, $0x38;
	[tilespmem:$0x19680] =	vst v63  }
0xe3: {  	s26 =	sadd.s32 $0x3C00, s1;
	s29 =	sadd.s32 $0x6680, s24  }
0xe4: {  	[tilespmem:s29], [sflag:$0x1] =	stream.linear.gather [spmem:s26], $0x80, $0x38;
	[tilespmem:$0x19680] =	vst v63  }
0xe5: {  	s26 =	sadd.s32 $0x4000, s1;
	s29 =	sadd.s32 $0x6A80, s24  }
0xe6: {  	[tilespmem:s29], [sflag:$0x1] =	stream.linear.gather [spmem:s26], $0x80, $0x38;
	[tilespmem:$0x19680] =	vst v63  }
0xe7: {  	s26 =	sadd.s32 $0x4400, s1;
	s29 =	sadd.s32 $0x6E80, s24  }
0xe8: {  	[tilespmem:s29], [sflag:$0x1] =	stream.linear.gather [spmem:s26], $0x80, $0x38;
	[tilespmem:$0x19680] =	vst v63  }
0xe9: {  	s26 =	sadd.s32 $0x4800, s1;
	s29 =	sadd.s32 $0x7280, s24  }
0xea: {  	[tilespmem:s29], [sflag:$0x1] =	stream.linear.gather [spmem:s26], $0x80, $0x38;
	[tilespmem:$0x19680] =	vst v63  }
0xeb: {  	s26 =	spop (v2sf)  }
0xec: {  	s28 =	sshrl.u32 s26, $0x3  }
0xed: {  	s1 =	sadd.s32 $0x4C00, s1;
	s29 =	sadd.s32 $0x7680, s24;
	s28 =	smul.u32 $0x14000, s28  }
0xee: {  	[tilespmem:s29], [sflag:$0x1] =	stream.linear.gather [spmem:s1], $0x80, $0x38;
	[tilespmem:$0x19680] =	vst v63  }
0xef: {  	s26 =	sshll.u32 s26, $0x7;
	s28 =	sshra.s32 s28, $0x2  }
0xf0: {  	s1 =	sand.u32 $0x380, s26;
	s26 =	sadd.s32 s28, s2  }
0xf1: {  	s29 =	sadd.s32 $0x2B00, s24;
	s1 =	sadd.s32 s1, s26  }
0xf2: {  	[tilespmem:s29], [sflag:$0x1] =	stream.linear.gather [spmem:s1], $0x80, $0x38;
	[tilespmem:$0x19680] =	vst v63  }
0xf3: {  	s26 =	sadd.s32 $0x400, s1;
	s29 =	sadd.s32 $0x2F00, s24  }
0xf4: {  	[tilespmem:s29], [sflag:$0x1] =	stream.linear.gather [spmem:s26], $0x80, $0x38;
	[tilespmem:$0x19680] =	vst v63  }
0xf5: {  	s26 =	sadd.s32 $0x800, s1;
	s29 =	sadd.s32 $0x3300, s24  }
0xf6: {  	[tilespmem:s29], [sflag:$0x1] =	stream.linear.gather [spmem:s26], $0x80, $0x38;
	[tilespmem:$0x19680] =	vst v63  }
0xf7: {  	s26 =	sadd.s32 $0xC00, s1;
	s29 =	sadd.s32 $0x3700, s24  }
0xf8: {  	[tilespmem:s29], [sflag:$0x1] =	stream.linear.gather [spmem:s26], $0x80, $0x38;
	[tilespmem:$0x19680] =	vst v63  }
0xf9: {  	s26 =	sadd.s32 $0x1000, s1;
	s29 =	sadd.s32 $0x3B00, s24  }
0xfa: {  	[tilespmem:s29], [sflag:$0x1] =	stream.linear.gather [spmem:s26], $0x80, $0x38;
	[tilespmem:$0x19680] =	vst v63  }
0xfb: {  	s26 =	sadd.s32 $0x1400, s1;
	s29 =	sadd.s32 $0x3F00, s24  }
0xfc: {  	[tilespmem:s29], [sflag:$0x1] =	stream.linear.gather [spmem:s26], $0x80, $0x38;
	[tilespmem:$0x19680] =	vst v63  }
0xfd: {  	s26 =	sadd.s32 $0x1800, s1;
	s29 =	sor.u32 $0x4300, s24  }
0xfe: {  	[tilespmem:s29], [sflag:$0x1] =	stream.linear.gather [spmem:s26], $0x80, $0x38;
	[tilespmem:$0x19680] =	vst v63  }
0xff: {  	s26 =	sadd.s32 $0x1C00, s1;
	s29 =	sor.u32 $0x4700, s24  }
0x100: {  	[tilespmem:s29], [sflag:$0x1] =	stream.linear.gather [spmem:s26], $0x80, $0x38;
	[tilespmem:$0x19680] =	vst v63  }
0x101: {  	s26 =	sadd.s32 $0x2000, s1;
	s29 =	sor.u32 $0x4B00, s24  }
0x102: {  	[tilespmem:s29], [sflag:$0x1] =	stream.linear.gather [spmem:s26], $0x80, $0x38;
	[tilespmem:$0x19680] =	vst v63  }
0x103: {  	s26 =	sadd.s32 $0x2400, s1;
	s29 =	sor.u32 $0x4F00, s24  }
0x104: {  	[tilespmem:s29], [sflag:$0x1] =	stream.linear.gather [spmem:s26], $0x80, $0x38;
	[tilespmem:$0x19680] =	vst v63  }
0x105: {  	s26 =	sadd.s32 $0x2800, s1;
	s29 =	sor.u32 $0x5300, s24  }
0x106: {  	[tilespmem:s29], [sflag:$0x1] =	stream.linear.gather [spmem:s26], $0x80, $0x38;
	[tilespmem:$0x19680] =	vst v63  }
0x107: {  	s26 =	sadd.s32 $0x2C00, s1;
	s29 =	sor.u32 $0x5700, s24  }
0x108: {  	(v2sf) =	vpush v3, $0x4;
	[tilespmem:s29], [sflag:$0x1] =	stream.linear.gather [spmem:s26], $0x80, $0x38;
	[tilespmem:$0x19680] =	vst v63  }
0x109: {  	s26 =	sadd.s32 $0x3000, s1;
	s29 =	sor.u32 $0x5B00, s24  }
0x10a: {  	[tilespmem:s29], [sflag:$0x1] =	stream.linear.gather [spmem:s26], $0x80, $0x38;
	[tilespmem:$0x19680] =	vst v63  }
0x10b: {  	s26 =	sadd.s32 $0x3400, s1;
	s29 =	sor.u32 $0x5F00, s24  }
0x10c: {  	[tilespmem:s29], [sflag:$0x1] =	stream.linear.gather [spmem:s26], $0x80, $0x38;
	[tilespmem:$0x19680] =	vst v63  }
0x10d: {  	s26 =	sadd.s32 $0x3800, s1;
	s29 =	sadd.s32 $0x6300, s24  }
0x10e: {  	[tilespmem:s29], [sflag:$0x1] =	stream.linear.gather [spmem:s26], $0x80, $0x38;
	[tilespmem:$0x19680] =	vst v63  }
0x10f: {  	s26 =	sadd.s32 $0x3C00, s1;
	s29 =	sadd.s32 $0x6700, s24  }
0x110: {  	[tilespmem:s29], [sflag:$0x1] =	stream.linear.gather [spmem:s26], $0x80, $0x38;
	[tilespmem:$0x19680] =	vst v63  }
0x111: {  	s26 =	sadd.s32 $0x4000, s1;
	s29 =	sadd.s32 $0x6B00, s24  }
0x112: {  	[tilespmem:s29], [sflag:$0x1] =	stream.linear.gather [spmem:s26], $0x80, $0x38;
	[tilespmem:$0x19680] =	vst v63  }
0x113: {  	s26 =	sadd.s32 $0x4400, s1;
	s29 =	sadd.s32 $0x6F00, s24  }
0x114: {  	[tilespmem:s29], [sflag:$0x1] =	stream.linear.gather [spmem:s26], $0x80, $0x38;
	[tilespmem:$0x19680] =	vst v63  }
0x115: {  	s26 =	sadd.s32 $0x4800, s1;
	s29 =	sadd.s32 $0x7300, s24  }
0x116: {  	[tilespmem:s29], [sflag:$0x1] =	stream.linear.gather [spmem:s26], $0x80, $0x38;
	[tilespmem:$0x19680] =	vst v63  }
0x117: {  	s26 =	spop (v2sf)  }
0x118: {  	s28 =	sshrl.u32 s26, $0x3  }
0x119: {  	s1 =	sadd.s32 $0x4C00, s1;
	s29 =	sadd.s32 $0x7700, s24;
	s28 =	smul.u32 $0x14000, s28  }
0x11a: {  	[tilespmem:s29], [sflag:$0x1] =	stream.linear.gather [spmem:s1], $0x80, $0x38;
	[tilespmem:$0x19680] =	vst v63  }
0x11b: {  	s26 =	sshll.u32 s26, $0x7;
	s28 =	sshra.s32 s28, $0x2  }
0x11c: {  	s1 =	sand.u32 $0x380, s26;
	s26 =	sadd.s32 s28, s2  }
0x11d: {  	s29 =	sadd.s32 $0x2B80, s24;
	s1 =	sadd.s32 s1, s26  }
0x11e: {  	[tilespmem:s29], [sflag:$0x1] =	stream.linear.gather [spmem:s1], $0x80, $0x38;
	[tilespmem:$0x19680] =	vst v63  }
0x11f: {  	s26 =	sadd.s32 $0x400, s1;
	s29 =	sadd.s32 $0x2F80, s24  }
0x120: {  	[tilespmem:s29], [sflag:$0x1] =	stream.linear.gather [spmem:s26], $0x80, $0x38;
	[tilespmem:$0x19680] =	vst v63  }
0x121: {  	s26 =	sadd.s32 $0x800, s1;
	s29 =	sadd.s32 $0x3380, s24  }
0x122: {  	[tilespmem:s29], [sflag:$0x1] =	stream.linear.gather [spmem:s26], $0x80, $0x38;
	[tilespmem:$0x19680] =	vst v63  }
0x123: {  	s26 =	sadd.s32 $0xC00, s1;
	s29 =	sadd.s32 $0x3780, s24  }
0x124: {  	[tilespmem:s29], [sflag:$0x1] =	stream.linear.gather [spmem:s26], $0x80, $0x38;
	[tilespmem:$0x19680] =	vst v63  }
0x125: {  	s26 =	sadd.s32 $0x1000, s1;
	s29 =	sadd.s32 $0x3B80, s24  }
0x126: {  	[tilespmem:s29], [sflag:$0x1] =	stream.linear.gather [spmem:s26], $0x80, $0x38;
	[tilespmem:$0x19680] =	vst v63  }
0x127: {  	s26 =	sadd.s32 $0x1400, s1;
	s29 =	sadd.s32 $0x3F80, s24  }
0x128: {  	[tilespmem:s29], [sflag:$0x1] =	stream.linear.gather [spmem:s26], $0x80, $0x38;
	[tilespmem:$0x19680] =	vst v63  }
0x129: {  	s26 =	sadd.s32 $0x1800, s1;
	s29 =	sor.u32 $0x4380, s24  }
0x12a: {  	[tilespmem:s29], [sflag:$0x1] =	stream.linear.gather [spmem:s26], $0x80, $0x38;
	[tilespmem:$0x19680] =	vst v63  }
0x12b: {  	s26 =	sadd.s32 $0x1C00, s1;
	s29 =	sor.u32 $0x4780, s24  }
0x12c: {  	[tilespmem:s29], [sflag:$0x1] =	stream.linear.gather [spmem:s26], $0x80, $0x38;
	[tilespmem:$0x19680] =	vst v63  }
0x12d: {  	s26 =	sadd.s32 $0x2000, s1;
	s29 =	sor.u32 $0x4B80, s24  }
0x12e: {  	[tilespmem:s29], [sflag:$0x1] =	stream.linear.gather [spmem:s26], $0x80, $0x38;
	[tilespmem:$0x19680] =	vst v63  }
0x12f: {  	s26 =	sadd.s32 $0x2400, s1;
	s29 =	sor.u32 $0x4F80, s24  }
0x130: {  	[tilespmem:s29], [sflag:$0x1] =	stream.linear.gather [spmem:s26], $0x80, $0x38;
	[tilespmem:$0x19680] =	vst v63  }
0x131: {  	s26 =	sadd.s32 $0x2800, s1;
	s29 =	sor.u32 $0x5380, s24  }
0x132: {  	[tilespmem:s29], [sflag:$0x1] =	stream.linear.gather [spmem:s26], $0x80, $0x38;
	[tilespmem:$0x19680] =	vst v63  }
0x133: {  	s26 =	sadd.s32 $0x2C00, s1;
	s29 =	sor.u32 $0x5780, s24  }
0x134: {  	(v2sf) =	vpush v3, $0x5;
	[tilespmem:s29], [sflag:$0x1] =	stream.linear.gather [spmem:s26], $0x80, $0x38;
	[tilespmem:$0x19680] =	vst v63  }
0x135: {  	s26 =	sadd.s32 $0x3000, s1;
	s29 =	sor.u32 $0x5B80, s24  }
0x136: {  	[tilespmem:s29], [sflag:$0x1] =	stream.linear.gather [spmem:s26], $0x80, $0x38;
	[tilespmem:$0x19680] =	vst v63  }
0x137: {  	s26 =	sadd.s32 $0x3400, s1;
	s29 =	sor.u32 $0x5F80, s24  }
0x138: {  	[tilespmem:s29], [sflag:$0x1] =	stream.linear.gather [spmem:s26], $0x80, $0x38;
	[tilespmem:$0x19680] =	vst v63  }
0x139: {  	s26 =	sadd.s32 $0x3800, s1;
	s29 =	sadd.s32 $0x6380, s24  }
0x13a: {  	[tilespmem:s29], [sflag:$0x1] =	stream.linear.gather [spmem:s26], $0x80, $0x38;
	[tilespmem:$0x19680] =	vst v63  }
0x13b: {  	s26 =	sadd.s32 $0x3C00, s1;
	s29 =	sadd.s32 $0x6780, s24  }
0x13c: {  	[tilespmem:s29], [sflag:$0x1] =	stream.linear.gather [spmem:s26], $0x80, $0x38;
	[tilespmem:$0x19680] =	vst v63  }
0x13d: {  	s26 =	sadd.s32 $0x4000, s1;
	s29 =	sadd.s32 $0x6B80, s24  }
0x13e: {  	[tilespmem:s29], [sflag:$0x1] =	stream.linear.gather [spmem:s26], $0x80, $0x38;
	[tilespmem:$0x19680] =	vst v63  }
0x13f: {  	s26 =	sadd.s32 $0x4400, s1;
	s29 =	sadd.s32 $0x6F80, s24  }
0x140: {  	[tilespmem:s29], [sflag:$0x1] =	stream.linear.gather [spmem:s26], $0x80, $0x38;
	[tilespmem:$0x19680] =	vst v63  }
0x141: {  	s26 =	sadd.s32 $0x4800, s1;
	s29 =	sadd.s32 $0x7380, s24  }
0x142: {  	[tilespmem:s29], [sflag:$0x1] =	stream.linear.gather [spmem:s26], $0x80, $0x38;
	[tilespmem:$0x19680] =	vst v63  }
0x143: {  	s26 =	spop (v2sf)  }
0x144: {  	s28 =	sshrl.u32 s26, $0x3  }
0x145: {  	s1 =	sadd.s32 $0x4C00, s1;
	s29 =	sadd.s32 $0x7780, s24;
	s28 =	smul.u32 $0x14000, s28  }
0x146: {  	[tilespmem:s29], [sflag:$0x1] =	stream.linear.gather [spmem:s1], $0x80, $0x38;
	[tilespmem:$0x19680] =	vst v63  }
0x147: {  	s26 =	sshll.u32 s26, $0x7;
	s28 =	sshra.s32 s28, $0x2  }
0x148: {  	s1 =	sand.u32 $0x380, s26;
	s26 =	sadd.s32 s28, s2  }
0x149: {  	s29 =	sadd.s32 $0x2C00, s24;
	s1 =	sadd.s32 s1, s26  }
0x14a: {  	[tilespmem:s29], [sflag:$0x1] =	stream.linear.gather [spmem:s1], $0x80, $0x38;
	[tilespmem:$0x19680] =	vst v63  }
0x14b: {  	s26 =	sadd.s32 $0x400, s1;
	s29 =	sadd.s32 $0x3000, s24  }
0x14c: {  	[tilespmem:s29], [sflag:$0x1] =	stream.linear.gather [spmem:s26], $0x80, $0x38;
	[tilespmem:$0x19680] =	vst v63  }
0x14d: {  	s26 =	sadd.s32 $0x800, s1;
	s29 =	sadd.s32 $0x3400, s24  }
0x14e: {  	[tilespmem:s29], [sflag:$0x1] =	stream.linear.gather [spmem:s26], $0x80, $0x38;
	[tilespmem:$0x19680] =	vst v63  }
0x14f: {  	s26 =	sadd.s32 $0xC00, s1;
	s29 =	sadd.s32 $0x3800, s24  }
0x150: {  	[tilespmem:s29], [sflag:$0x1] =	stream.linear.gather [spmem:s26], $0x80, $0x38;
	[tilespmem:$0x19680] =	vst v63  }
0x151: {  	s26 =	sadd.s32 $0x1000, s1;
	s29 =	sadd.s32 $0x3C00, s24  }
0x152: {  	[tilespmem:s29], [sflag:$0x1] =	stream.linear.gather [spmem:s26], $0x80, $0x38;
	[tilespmem:$0x19680] =	vst v63  }
0x153: {  	s26 =	sadd.s32 $0x1400, s1;
	s29 =	sor.u32 $0x4000, s24  }
0x154: {  	[tilespmem:s29], [sflag:$0x1] =	stream.linear.gather [spmem:s26], $0x80, $0x38;
	[tilespmem:$0x19680] =	vst v63  }
0x155: {  	s26 =	sadd.s32 $0x1800, s1;
	s29 =	sor.u32 $0x4400, s24  }
0x156: {  	[tilespmem:s29], [sflag:$0x1] =	stream.linear.gather [spmem:s26], $0x80, $0x38;
	[tilespmem:$0x19680] =	vst v63  }
0x157: {  	s26 =	sadd.s32 $0x1C00, s1;
	s29 =	sor.u32 $0x4800, s24  }
0x158: {  	[tilespmem:s29], [sflag:$0x1] =	stream.linear.gather [spmem:s26], $0x80, $0x38;
	[tilespmem:$0x19680] =	vst v63  }
0x159: {  	s26 =	sadd.s32 $0x2000, s1;
	s29 =	sor.u32 $0x4C00, s24  }
0x15a: {  	[tilespmem:s29], [sflag:$0x1] =	stream.linear.gather [spmem:s26], $0x80, $0x38;
	[tilespmem:$0x19680] =	vst v63  }
0x15b: {  	s26 =	sadd.s32 $0x2400, s1;
	s29 =	sor.u32 $0x5000, s24  }
0x15c: {  	[tilespmem:s29], [sflag:$0x1] =	stream.linear.gather [spmem:s26], $0x80, $0x38;
	[tilespmem:$0x19680] =	vst v63  }
0x15d: {  	s26 =	sadd.s32 $0x2800, s1;
	s29 =	sor.u32 $0x5400, s24  }
0x15e: {  	[tilespmem:s29], [sflag:$0x1] =	stream.linear.gather [spmem:s26], $0x80, $0x38;
	[tilespmem:$0x19680] =	vst v63  }
0x15f: {  	s26 =	sadd.s32 $0x2C00, s1;
	s29 =	sor.u32 $0x5800, s24  }
0x160: {  	(v2sf) =	vpush v3, $0x6;
	[tilespmem:s29], [sflag:$0x1] =	stream.linear.gather [spmem:s26], $0x80, $0x38;
	[tilespmem:$0x19680] =	vst v63  }
0x161: {  	s26 =	sadd.s32 $0x3000, s1;
	s29 =	sor.u32 $0x5C00, s24  }
0x162: {  	[tilespmem:s29], [sflag:$0x1] =	stream.linear.gather [spmem:s26], $0x80, $0x38;
	[tilespmem:$0x19680] =	vst v63  }
0x163: {  	s26 =	sadd.s32 $0x3400, s1;
	s29 =	sadd.s32 $0x6000, s24  }
0x164: {  	[tilespmem:s29], [sflag:$0x1] =	stream.linear.gather [spmem:s26], $0x80, $0x38;
	[tilespmem:$0x19680] =	vst v63  }
0x165: {  	s26 =	sadd.s32 $0x3800, s1;
	s29 =	sadd.s32 $0x6400, s24  }
0x166: {  	[tilespmem:s29], [sflag:$0x1] =	stream.linear.gather [spmem:s26], $0x80, $0x38;
	[tilespmem:$0x19680] =	vst v63  }
0x167: {  	s26 =	sadd.s32 $0x3C00, s1;
	s29 =	sadd.s32 $0x6800, s24  }
0x168: {  	[tilespmem:s29], [sflag:$0x1] =	stream.linear.gather [spmem:s26], $0x80, $0x38;
	[tilespmem:$0x19680] =	vst v63  }
0x169: {  	s26 =	sadd.s32 $0x4000, s1;
	s29 =	sadd.s32 $0x6C00, s24  }
0x16a: {  	[tilespmem:s29], [sflag:$0x1] =	stream.linear.gather [spmem:s26], $0x80, $0x38;
	[tilespmem:$0x19680] =	vst v63  }
0x16b: {  	s26 =	sadd.s32 $0x4400, s1;
	s29 =	sadd.s32 $0x7000, s24  }
0x16c: {  	[tilespmem:s29], [sflag:$0x1] =	stream.linear.gather [spmem:s26], $0x80, $0x38;
	[tilespmem:$0x19680] =	vst v63  }
0x16d: {  	s26 =	sadd.s32 $0x4800, s1;
	s29 =	sadd.s32 $0x7400, s24  }
0x16e: {  	[tilespmem:s29], [sflag:$0x1] =	stream.linear.gather [spmem:s26], $0x80, $0x38;
	[tilespmem:$0x19680] =	vst v63  }
0x16f: {  	s26 =	spop (v2sf)  }
0x170: {  	s28 =	sshrl.u32 s26, $0x3  }
0x171: {  	s1 =	sadd.s32 $0x4C00, s1;
	s29 =	sadd.s32 $0x7800, s24;
	s28 =	smul.u32 $0x14000, s28  }
0x172: {  	[tilespmem:s29], [sflag:$0x1] =	stream.linear.gather [spmem:s1], $0x80, $0x38;
	[tilespmem:$0x19680] =	vst v63  }
0x173: {  	s26 =	sshll.u32 s26, $0x7;
	s28 =	sshra.s32 s28, $0x2  }
0x174: {  	s1 =	sand.u32 $0x380, s26;
	s26 =	sadd.s32 s28, s2  }
0x175: {  	s29 =	sadd.s32 $0x2C80, s24;
	s1 =	sadd.s32 s1, s26  }
0x176: {  	[tilespmem:s29], [sflag:$0x1] =	stream.linear.gather [spmem:s1], $0x80, $0x38;
	[tilespmem:$0x19680] =	vst v63  }
0x177: {  	s26 =	sadd.s32 $0x400, s1;
	s29 =	sadd.s32 $0x3080, s24  }
0x178: {  	[tilespmem:s29], [sflag:$0x1] =	stream.linear.gather [spmem:s26], $0x80, $0x38;
	[tilespmem:$0x19680] =	vst v63  }
0x179: {  	s26 =	sadd.s32 $0x800, s1;
	s29 =	sadd.s32 $0x3480, s24  }
0x17a: {  	[tilespmem:s29], [sflag:$0x1] =	stream.linear.gather [spmem:s26], $0x80, $0x38;
	[tilespmem:$0x19680] =	vst v63  }
0x17b: {  	s26 =	sadd.s32 $0xC00, s1;
	s29 =	sadd.s32 $0x3880, s24  }
0x17c: {  	[tilespmem:s29], [sflag:$0x1] =	stream.linear.gather [spmem:s26], $0x80, $0x38;
	[tilespmem:$0x19680] =	vst v63  }
0x17d: {  	s26 =	sadd.s32 $0x1000, s1;
	s29 =	sadd.s32 $0x3C80, s24  }
0x17e: {  	[tilespmem:s29], [sflag:$0x1] =	stream.linear.gather [spmem:s26], $0x80, $0x38;
	[tilespmem:$0x19680] =	vst v63  }
0x17f: {  	s26 =	sadd.s32 $0x1400, s1;
	s29 =	sor.u32 $0x4080, s24  }
0x180: {  	[tilespmem:s29], [sflag:$0x1] =	stream.linear.gather [spmem:s26], $0x80, $0x38;
	[tilespmem:$0x19680] =	vst v63  }
0x181: {  	s26 =	sadd.s32 $0x1800, s1;
	s29 =	sor.u32 $0x4480, s24  }
0x182: {  	[tilespmem:s29], [sflag:$0x1] =	stream.linear.gather [spmem:s26], $0x80, $0x38;
	[tilespmem:$0x19680] =	vst v63  }
0x183: {  	s26 =	sadd.s32 $0x1C00, s1;
	s29 =	sor.u32 $0x4880, s24  }
0x184: {  	[tilespmem:s29], [sflag:$0x1] =	stream.linear.gather [spmem:s26], $0x80, $0x38;
	[tilespmem:$0x19680] =	vst v63  }
0x185: {  	s26 =	sadd.s32 $0x2000, s1;
	s29 =	sor.u32 $0x4C80, s24  }
0x186: {  	[tilespmem:s29], [sflag:$0x1] =	stream.linear.gather [spmem:s26], $0x80, $0x38;
	[tilespmem:$0x19680] =	vst v63  }
0x187: {  	s26 =	sadd.s32 $0x2400, s1;
	s29 =	sor.u32 $0x5080, s24  }
0x188: {  	[tilespmem:s29], [sflag:$0x1] =	stream.linear.gather [spmem:s26], $0x80, $0x38;
	[tilespmem:$0x19680] =	vst v63  }
0x189: {  	s26 =	sadd.s32 $0x2800, s1;
	s29 =	sor.u32 $0x5480, s24  }
0x18a: {  	[tilespmem:s29], [sflag:$0x1] =	stream.linear.gather [spmem:s26], $0x80, $0x38;
	[tilespmem:$0x19680] =	vst v63  }
0x18b: {  	s26 =	sadd.s32 $0x2C00, s1;
	s29 =	sor.u32 $0x5880, s24  }
0x18c: {  	(v2sf) =	vpush v3, $0x7;
	[tilespmem:s29], [sflag:$0x1] =	stream.linear.gather [spmem:s26], $0x80, $0x38;
	[tilespmem:$0x19680] =	vst v63  }
0x18d: {  	s26 =	sadd.s32 $0x3000, s1;
	s29 =	sor.u32 $0x5C80, s24  }
0x18e: {  	[tilespmem:s29], [sflag:$0x1] =	stream.linear.gather [spmem:s26], $0x80, $0x38;
	[tilespmem:$0x19680] =	vst v63  }
0x18f: {  	s26 =	sadd.s32 $0x3400, s1;
	s29 =	sadd.s32 $0x6080, s24  }
0x190: {  	[tilespmem:s29], [sflag:$0x1] =	stream.linear.gather [spmem:s26], $0x80, $0x38;
	[tilespmem:$0x19680] =	vst v63  }
0x191: {  	s26 =	sadd.s32 $0x3800, s1;
	s29 =	sadd.s32 $0x6480, s24  }
0x192: {  	[tilespmem:s29], [sflag:$0x1] =	stream.linear.gather [spmem:s26], $0x80, $0x38;
	[tilespmem:$0x19680] =	vst v63  }
0x193: {  	s26 =	sadd.s32 $0x3C00, s1;
	s29 =	sadd.s32 $0x6880, s24  }
0x194: {  	[tilespmem:s29], [sflag:$0x1] =	stream.linear.gather [spmem:s26], $0x80, $0x38;
	[tilespmem:$0x19680] =	vst v63  }
0x195: {  	s26 =	sadd.s32 $0x4000, s1;
	s29 =	sadd.s32 $0x6C80, s24  }
0x196: {  	[tilespmem:s29], [sflag:$0x1] =	stream.linear.gather [spmem:s26], $0x80, $0x38;
	[tilespmem:$0x19680] =	vst v63  }
0x197: {  	s26 =	sadd.s32 $0x4400, s1;
	s29 =	sadd.s32 $0x7080, s24  }
0x198: {  	[tilespmem:s29], [sflag:$0x1] =	stream.linear.gather [spmem:s26], $0x80, $0x38;
	[tilespmem:$0x19680] =	vst v63  }
0x199: {  	s26 =	sadd.s32 $0x4800, s1;
	s29 =	sadd.s32 $0x7480, s24  }
0x19a: {  	[tilespmem:s29], [sflag:$0x1] =	stream.linear.gather [spmem:s26], $0x80, $0x38;
	[tilespmem:$0x19680] =	vst v63  }
0x19b: {  	s26 =	spop (v2sf)  }
0x19c: {  	s28 =	sshrl.u32 s26, $0x3  }
0x19d: {  	s1 =	sadd.s32 $0x4C00, s1;
	s29 =	sadd.s32 $0x7880, s24;
	s28 =	smul.u32 $0x14000, s28  }
0x19e: {  	[tilespmem:s29], [sflag:$0x1] =	stream.linear.gather [spmem:s1], $0x80, $0x38;
	[tilespmem:$0x19680] =	vst v63  }
0x19f: {  	s26 =	sshll.u32 s26, $0x7;
	s28 =	sshra.s32 s28, $0x2  }
0x1a0: {  	s1 =	sand.u32 $0x380, s26;
	s26 =	sadd.s32 s28, s2  }
0x1a1: {  	s29 =	sadd.s32 $0x2D00, s24;
	s1 =	sadd.s32 s1, s26  }
0x1a2: {  	[tilespmem:s29], [sflag:$0x1] =	stream.linear.gather [spmem:s1], $0x80, $0x38;
	[tilespmem:$0x19680] =	vst v63  }
0x1a3: {  	s26 =	sadd.s32 $0x400, s1;
	s29 =	sadd.s32 $0x3100, s24  }
0x1a4: {  	[tilespmem:s29], [sflag:$0x1] =	stream.linear.gather [spmem:s26], $0x80, $0x38;
	[tilespmem:$0x19680] =	vst v63  }
0x1a5: {  	s26 =	sadd.s32 $0x800, s1;
	s29 =	sadd.s32 $0x3500, s24  }
0x1a6: {  	[tilespmem:s29], [sflag:$0x1] =	stream.linear.gather [spmem:s26], $0x80, $0x38;
	[tilespmem:$0x19680] =	vst v63  }
0x1a7: {  	s26 =	sadd.s32 $0xC00, s1;
	s29 =	sadd.s32 $0x3900, s24  }
0x1a8: {  	[tilespmem:s29], [sflag:$0x1] =	stream.linear.gather [spmem:s26], $0x80, $0x38;
	[tilespmem:$0x19680] =	vst v63  }
0x1a9: {  	s26 =	sadd.s32 $0x1000, s1;
	s29 =	sadd.s32 $0x3D00, s24  }
0x1aa: {  	[tilespmem:s29], [sflag:$0x1] =	stream.linear.gather [spmem:s26], $0x80, $0x38;
	[tilespmem:$0x19680] =	vst v63  }
0x1ab: {  	s26 =	sadd.s32 $0x1400, s1;
	s29 =	sor.u32 $0x4100, s24  }
0x1ac: {  	[tilespmem:s29], [sflag:$0x1] =	stream.linear.gather [spmem:s26], $0x80, $0x38;
	[tilespmem:$0x19680] =	vst v63  }
0x1ad: {  	s26 =	sadd.s32 $0x1800, s1;
	s29 =	sor.u32 $0x4500, s24  }
0x1ae: {  	[tilespmem:s29], [sflag:$0x1] =	stream.linear.gather [spmem:s26], $0x80, $0x38;
	[tilespmem:$0x19680] =	vst v63  }
0x1af: {  	s26 =	sadd.s32 $0x1C00, s1;
	s29 =	sor.u32 $0x4900, s24  }
0x1b0: {  	[tilespmem:s29], [sflag:$0x1] =	stream.linear.gather [spmem:s26], $0x80, $0x38;
	[tilespmem:$0x19680] =	vst v63  }
0x1b1: {  	s26 =	sadd.s32 $0x2000, s1;
	s29 =	sor.u32 $0x4D00, s24  }
0x1b2: {  	[tilespmem:s29], [sflag:$0x1] =	stream.linear.gather [spmem:s26], $0x80, $0x38;
	[tilespmem:$0x19680] =	vst v63  }
0x1b3: {  	s26 =	sadd.s32 $0x2400, s1;
	s29 =	sor.u32 $0x5100, s24  }
0x1b4: {  	[tilespmem:s29], [sflag:$0x1] =	stream.linear.gather [spmem:s26], $0x80, $0x38;
	[tilespmem:$0x19680] =	vst v63  }
0x1b5: {  	s26 =	sadd.s32 $0x2800, s1;
	s29 =	sor.u32 $0x5500, s24  }
0x1b6: {  	[tilespmem:s29], [sflag:$0x1] =	stream.linear.gather [spmem:s26], $0x80, $0x38;
	[tilespmem:$0x19680] =	vst v63  }
0x1b7: {  	s26 =	sadd.s32 $0x2C00, s1;
	s29 =	sor.u32 $0x5900, s24  }
0x1b8: {  	(v2sf) =	vpush v3, $0x8;
	[tilespmem:s29], [sflag:$0x1] =	stream.linear.gather [spmem:s26], $0x80, $0x38;
	[tilespmem:$0x19680] =	vst v63  }
0x1b9: {  	s26 =	sadd.s32 $0x3000, s1;
	s29 =	sor.u32 $0x5D00, s24  }
0x1ba: {  	[tilespmem:s29], [sflag:$0x1] =	stream.linear.gather [spmem:s26], $0x80, $0x38;
	[tilespmem:$0x19680] =	vst v63  }
0x1bb: {  	s26 =	sadd.s32 $0x3400, s1;
	s29 =	sadd.s32 $0x6100, s24  }
0x1bc: {  	[tilespmem:s29], [sflag:$0x1] =	stream.linear.gather [spmem:s26], $0x80, $0x38;
	[tilespmem:$0x19680] =	vst v63  }
0x1bd: {  	s26 =	sadd.s32 $0x3800, s1;
	s29 =	sadd.s32 $0x6500, s24  }
0x1be: {  	[tilespmem:s29], [sflag:$0x1] =	stream.linear.gather [spmem:s26], $0x80, $0x38;
	[tilespmem:$0x19680] =	vst v63  }
0x1bf: {  	s26 =	sadd.s32 $0x3C00, s1;
	s29 =	sadd.s32 $0x6900, s24  }
0x1c0: {  	[tilespmem:s29], [sflag:$0x1] =	stream.linear.gather [spmem:s26], $0x80, $0x38;
	[tilespmem:$0x19680] =	vst v63  }
0x1c1: {  	s26 =	sadd.s32 $0x4000, s1;
	s29 =	sadd.s32 $0x6D00, s24  }
0x1c2: {  	[tilespmem:s29], [sflag:$0x1] =	stream.linear.gather [spmem:s26], $0x80, $0x38;
	[tilespmem:$0x19680] =	vst v63  }
0x1c3: {  	s26 =	sadd.s32 $0x4400, s1;
	s29 =	sadd.s32 $0x7100, s24  }
0x1c4: {  	[tilespmem:s29], [sflag:$0x1] =	stream.linear.gather [spmem:s26], $0x80, $0x38;
	[tilespmem:$0x19680] =	vst v63  }
0x1c5: {  	s26 =	sadd.s32 $0x4800, s1;
	s29 =	sadd.s32 $0x7500, s24  }
0x1c6: {  	[tilespmem:s29], [sflag:$0x1] =	stream.linear.gather [spmem:s26], $0x80, $0x38;
	[tilespmem:$0x19680] =	vst v63  }
0x1c7: {  	s26 =	spop (v2sf)  }
0x1c8: {  	s28 =	sshrl.u32 s26, $0x3  }
0x1c9: {  	s1 =	sadd.s32 $0x4C00, s1;
	s29 =	sadd.s32 $0x7900, s24;
	s28 =	smul.u32 $0x14000, s28  }
0x1ca: {  	[tilespmem:s29], [sflag:$0x1] =	stream.linear.gather [spmem:s1], $0x80, $0x38;
	[tilespmem:$0x19680] =	vst v63  }
0x1cb: {  	s26 =	sshll.u32 s26, $0x7;
	s28 =	sshra.s32 s28, $0x2  }
0x1cc: {  	s1 =	sand.u32 $0x380, s26;
	s26 =	sadd.s32 s28, s2  }
0x1cd: {  	s29 =	sadd.s32 $0x7980, s24;
	s1 =	sadd.s32 s1, s26  }
0x1ce: {  	[tilespmem:s29], [sflag:$0x1] =	stream.linear.gather [spmem:s1], $0x80, $0x38;
	[tilespmem:$0x19680] =	vst v63  }
0x1cf: {  	s26 =	sadd.s32 $0x400, s1;
	s29 =	sadd.s32 $0x7D80, s24  }
0x1d0: {  	[tilespmem:s29], [sflag:$0x1] =	stream.linear.gather [spmem:s26], $0x80, $0x38;
	[tilespmem:$0x19680] =	vst v63  }
0x1d1: {  	s26 =	sadd.s32 $0x800, s1;
	s29 =	sadd.s32 $0x8180, s24  }
0x1d2: {  	[tilespmem:s29], [sflag:$0x1] =	stream.linear.gather [spmem:s26], $0x80, $0x38;
	[tilespmem:$0x19680] =	vst v63  }
0x1d3: {  	s26 =	sadd.s32 $0xC00, s1;
	s29 =	sadd.s32 $0x8580, s24  }
0x1d4: {  	[tilespmem:s29], [sflag:$0x1] =	stream.linear.gather [spmem:s26], $0x80, $0x38;
	[tilespmem:$0x19680] =	vst v63  }
0x1d5: {  	s26 =	sadd.s32 $0x1000, s1;
	s29 =	sadd.s32 $0x8980, s24  }
0x1d6: {  	[tilespmem:s29], [sflag:$0x1] =	stream.linear.gather [spmem:s26], $0x80, $0x38;
	[tilespmem:$0x19680] =	vst v63  }
0x1d7: {  	s26 =	sadd.s32 $0x1400, s1;
	s29 =	sadd.s32 $0x8D80, s24  }
0x1d8: {  	[tilespmem:s29], [sflag:$0x1] =	stream.linear.gather [spmem:s26], $0x80, $0x38;
	[tilespmem:$0x19680] =	vst v63  }
0x1d9: {  	s26 =	sadd.s32 $0x1800, s1;
	s29 =	sadd.s32 $0x9180, s24  }
0x1da: {  	[tilespmem:s29], [sflag:$0x1] =	stream.linear.gather [spmem:s26], $0x80, $0x38;
	[tilespmem:$0x19680] =	vst v63  }
0x1db: {  	s26 =	sadd.s32 $0x1C00, s1;
	s29 =	sadd.s32 $0x9580, s24  }
0x1dc: {  	[tilespmem:s29], [sflag:$0x1] =	stream.linear.gather [spmem:s26], $0x80, $0x38;
	[tilespmem:$0x19680] =	vst v63  }
0x1dd: {  	s26 =	sadd.s32 $0x2000, s1;
	s29 =	sadd.s32 $0x9980, s24  }
0x1de: {  	[tilespmem:s29], [sflag:$0x1] =	stream.linear.gather [spmem:s26], $0x80, $0x38;
	[tilespmem:$0x19680] =	vst v63  }
0x1df: {  	s26 =	sadd.s32 $0x2400, s1;
	s29 =	sadd.s32 $0x9D80, s24  }
0x1e0: {  	[tilespmem:s29], [sflag:$0x1] =	stream.linear.gather [spmem:s26], $0x80, $0x38;
	[tilespmem:$0x19680] =	vst v63  }
0x1e1: {  	s26 =	sadd.s32 $0x2800, s1;
	s29 =	sadd.s32 $0xA180, s24  }
0x1e2: {  	[tilespmem:s29], [sflag:$0x1] =	stream.linear.gather [spmem:s26], $0x80, $0x38;
	[tilespmem:$0x19680] =	vst v63  }
0x1e3: {  	s26 =	sadd.s32 $0x2C00, s1;
	s29 =	sadd.s32 $0xA580, s24  }
0x1e4: {  	(v2sf) =	vpush v3, $0x9;
	[tilespmem:s29], [sflag:$0x1] =	stream.linear.gather [spmem:s26], $0x80, $0x38;
	[tilespmem:$0x19680] =	vst v63  }
0x1e5: {  	s26 =	sadd.s32 $0x3000, s1;
	s29 =	sadd.s32 $0xA980, s24  }
0x1e6: {  	[tilespmem:s29], [sflag:$0x1] =	stream.linear.gather [spmem:s26], $0x80, $0x38;
	[tilespmem:$0x19680] =	vst v63  }
0x1e7: {  	s26 =	sadd.s32 $0x3400, s1;
	s29 =	sadd.s32 $0xAD80, s24  }
0x1e8: {  	[tilespmem:s29], [sflag:$0x1] =	stream.linear.gather [spmem:s26], $0x80, $0x38;
	[tilespmem:$0x19680] =	vst v63  }
0x1e9: {  	s26 =	sadd.s32 $0x3800, s1;
	s29 =	sadd.s32 $0xB180, s24  }
0x1ea: {  	[tilespmem:s29], [sflag:$0x1] =	stream.linear.gather [spmem:s26], $0x80, $0x38;
	[tilespmem:$0x19680] =	vst v63  }
0x1eb: {  	s26 =	sadd.s32 $0x3C00, s1;
	s29 =	sadd.s32 $0xB580, s24  }
0x1ec: {  	[tilespmem:s29], [sflag:$0x1] =	stream.linear.gather [spmem:s26], $0x80, $0x38;
	[tilespmem:$0x19680] =	vst v63  }
0x1ed: {  	s26 =	sadd.s32 $0x4000, s1;
	s29 =	sadd.s32 $0xB980, s24  }
0x1ee: {  	[tilespmem:s29], [sflag:$0x1] =	stream.linear.gather [spmem:s26], $0x80, $0x38;
	[tilespmem:$0x19680] =	vst v63  }
0x1ef: {  	s26 =	sadd.s32 $0x4400, s1;
	s29 =	sadd.s32 $0xBD80, s24  }
0x1f0: {  	[tilespmem:s29], [sflag:$0x1] =	stream.linear.gather [spmem:s26], $0x80, $0x38;
	[tilespmem:$0x19680] =	vst v63  }
0x1f1: {  	s26 =	sadd.s32 $0x4800, s1;
	s29 =	sadd.s32 $0xC180, s24  }
0x1f2: {  	[tilespmem:s29], [sflag:$0x1] =	stream.linear.gather [spmem:s26], $0x80, $0x38;
	[tilespmem:$0x19680] =	vst v63  }
0x1f3: {  	s26 =	spop (v2sf)  }
0x1f4: {  	s28 =	sshrl.u32 s26, $0x3  }
0x1f5: {  	s1 =	sadd.s32 $0x4C00, s1;
	s29 =	sadd.s32 $0xC580, s24;
	s28 =	smul.u32 $0x14000, s28  }
0x1f6: {  	[tilespmem:s29], [sflag:$0x1] =	stream.linear.gather [spmem:s1], $0x80, $0x38;
	[tilespmem:$0x19680] =	vst v63  }
0x1f7: {  	s26 =	sshll.u32 s26, $0x7;
	s28 =	sshra.s32 s28, $0x2  }
0x1f8: {  	s1 =	sand.u32 $0x380, s26;
	s26 =	sadd.s32 s28, s2  }
0x1f9: {  	s29 =	sadd.s32 $0x7A00, s24;
	s1 =	sadd.s32 s1, s26  }
0x1fa: {  	[tilespmem:s29], [sflag:$0x1] =	stream.linear.gather [spmem:s1], $0x80, $0x38;
	[tilespmem:$0x19680] =	vst v63  }
0x1fb: {  	s26 =	sadd.s32 $0x400, s1;
	s29 =	sadd.s32 $0x7E00, s24  }
0x1fc: {  	[tilespmem:s29], [sflag:$0x1] =	stream.linear.gather [spmem:s26], $0x80, $0x38;
	[tilespmem:$0x19680] =	vst v63  }
0x1fd: {  	s26 =	sadd.s32 $0x800, s1;
	s29 =	sadd.s32 $0x8200, s24  }
0x1fe: {  	[tilespmem:s29], [sflag:$0x1] =	stream.linear.gather [spmem:s26], $0x80, $0x38;
	[tilespmem:$0x19680] =	vst v63  }
0x1ff: {  	s26 =	sadd.s32 $0xC00, s1;
	s29 =	sadd.s32 $0x8600, s24  }
0x200: {  	[tilespmem:s29], [sflag:$0x1] =	stream.linear.gather [spmem:s26], $0x80, $0x38;
	[tilespmem:$0x19680] =	vst v63  }
0x201: {  	s26 =	sadd.s32 $0x1000, s1;
	s29 =	sadd.s32 $0x8A00, s24  }
0x202: {  	[tilespmem:s29], [sflag:$0x1] =	stream.linear.gather [spmem:s26], $0x80, $0x38;
	[tilespmem:$0x19680] =	vst v63  }
0x203: {  	s26 =	sadd.s32 $0x1400, s1;
	s29 =	sadd.s32 $0x8E00, s24  }
0x204: {  	[tilespmem:s29], [sflag:$0x1] =	stream.linear.gather [spmem:s26], $0x80, $0x38;
	[tilespmem:$0x19680] =	vst v63  }
0x205: {  	s26 =	sadd.s32 $0x1800, s1;
	s29 =	sadd.s32 $0x9200, s24  }
0x206: {  	[tilespmem:s29], [sflag:$0x1] =	stream.linear.gather [spmem:s26], $0x80, $0x38;
	[tilespmem:$0x19680] =	vst v63  }
0x207: {  	s26 =	sadd.s32 $0x1C00, s1;
	s29 =	sadd.s32 $0x9600, s24  }
0x208: {  	[tilespmem:s29], [sflag:$0x1] =	stream.linear.gather [spmem:s26], $0x80, $0x38;
	[tilespmem:$0x19680] =	vst v63  }
0x209: {  	s26 =	sadd.s32 $0x2000, s1;
	s29 =	sadd.s32 $0x9A00, s24  }
0x20a: {  	[tilespmem:s29], [sflag:$0x1] =	stream.linear.gather [spmem:s26], $0x80, $0x38;
	[tilespmem:$0x19680] =	vst v63  }
0x20b: {  	s26 =	sadd.s32 $0x2400, s1;
	s29 =	sadd.s32 $0x9E00, s24  }
0x20c: {  	[tilespmem:s29], [sflag:$0x1] =	stream.linear.gather [spmem:s26], $0x80, $0x38;
	[tilespmem:$0x19680] =	vst v63  }
0x20d: {  	s26 =	sadd.s32 $0x2800, s1;
	s29 =	sadd.s32 $0xA200, s24  }
0x20e: {  	[tilespmem:s29], [sflag:$0x1] =	stream.linear.gather [spmem:s26], $0x80, $0x38;
	[tilespmem:$0x19680] =	vst v63  }
0x20f: {  	s26 =	sadd.s32 $0x2C00, s1;
	s29 =	sadd.s32 $0xA600, s24  }
0x210: {  	(v2sf) =	vpush v3, $0xA;
	[tilespmem:s29], [sflag:$0x1] =	stream.linear.gather [spmem:s26], $0x80, $0x38;
	[tilespmem:$0x19680] =	vst v63  }
0x211: {  	s26 =	sadd.s32 $0x3000, s1;
	s29 =	sadd.s32 $0xAA00, s24  }
0x212: {  	[tilespmem:s29], [sflag:$0x1] =	stream.linear.gather [spmem:s26], $0x80, $0x38;
	[tilespmem:$0x19680] =	vst v63  }
0x213: {  	s26 =	sadd.s32 $0x3400, s1;
	s29 =	sadd.s32 $0xAE00, s24  }
0x214: {  	[tilespmem:s29], [sflag:$0x1] =	stream.linear.gather [spmem:s26], $0x80, $0x38;
	[tilespmem:$0x19680] =	vst v63  }
0x215: {  	s26 =	sadd.s32 $0x3800, s1;
	s29 =	sadd.s32 $0xB200, s24  }
0x216: {  	[tilespmem:s29], [sflag:$0x1] =	stream.linear.gather [spmem:s26], $0x80, $0x38;
	[tilespmem:$0x19680] =	vst v63  }
0x217: {  	s26 =	sadd.s32 $0x3C00, s1;
	s29 =	sadd.s32 $0xB600, s24  }
0x218: {  	[tilespmem:s29], [sflag:$0x1] =	stream.linear.gather [spmem:s26], $0x80, $0x38;
	[tilespmem:$0x19680] =	vst v63  }
0x219: {  	s26 =	sadd.s32 $0x4000, s1;
	s29 =	sadd.s32 $0xBA00, s24  }
0x21a: {  	[tilespmem:s29], [sflag:$0x1] =	stream.linear.gather [spmem:s26], $0x80, $0x38;
	[tilespmem:$0x19680] =	vst v63  }
0x21b: {  	s26 =	sadd.s32 $0x4400, s1;
	s29 =	sadd.s32 $0xBE00, s24  }
0x21c: {  	[tilespmem:s29], [sflag:$0x1] =	stream.linear.gather [spmem:s26], $0x80, $0x38;
	[tilespmem:$0x19680] =	vst v63  }
0x21d: {  	s26 =	sadd.s32 $0x4800, s1;
	s29 =	sadd.s32 $0xC200, s24  }
0x21e: {  	[tilespmem:s29], [sflag:$0x1] =	stream.linear.gather [spmem:s26], $0x80, $0x38;
	[tilespmem:$0x19680] =	vst v63  }
0x21f: {  	s26 =	spop (v2sf)  }
0x220: {  	s28 =	sshrl.u32 s26, $0x3  }
0x221: {  	s1 =	sadd.s32 $0x4C00, s1;
	s29 =	sadd.s32 $0xC600, s24;
	s28 =	smul.u32 $0x14000, s28  }
0x222: {  	[tilespmem:s29], [sflag:$0x1] =	stream.linear.gather [spmem:s1], $0x80, $0x38;
	[tilespmem:$0x19680] =	vst v63  }
0x223: {  	s26 =	sshll.u32 s26, $0x7;
	s28 =	sshra.s32 s28, $0x2  }
0x224: {  	s1 =	sand.u32 $0x380, s26;
	s26 =	sadd.s32 s28, s2  }
0x225: {  	s29 =	sadd.s32 $0x7A80, s24;
	s1 =	sadd.s32 s1, s26  }
0x226: {  	[tilespmem:s29], [sflag:$0x1] =	stream.linear.gather [spmem:s1], $0x80, $0x38;
	[tilespmem:$0x19680] =	vst v63  }
0x227: {  	s26 =	sadd.s32 $0x400, s1;
	s29 =	sadd.s32 $0x7E80, s24  }
0x228: {  	[tilespmem:s29], [sflag:$0x1] =	stream.linear.gather [spmem:s26], $0x80, $0x38;
	[tilespmem:$0x19680] =	vst v63  }
0x229: {  	s26 =	sadd.s32 $0x800, s1;
	s29 =	sadd.s32 $0x8280, s24  }
0x22a: {  	[tilespmem:s29], [sflag:$0x1] =	stream.linear.gather [spmem:s26], $0x80, $0x38;
	[tilespmem:$0x19680] =	vst v63  }
0x22b: {  	s26 =	sadd.s32 $0xC00, s1;
	s29 =	sadd.s32 $0x8680, s24  }
0x22c: {  	[tilespmem:s29], [sflag:$0x1] =	stream.linear.gather [spmem:s26], $0x80, $0x38;
	[tilespmem:$0x19680] =	vst v63  }
0x22d: {  	s26 =	sadd.s32 $0x1000, s1;
	s29 =	sadd.s32 $0x8A80, s24  }
0x22e: {  	[tilespmem:s29], [sflag:$0x1] =	stream.linear.gather [spmem:s26], $0x80, $0x38;
	[tilespmem:$0x19680] =	vst v63  }
0x22f: {  	s26 =	sadd.s32 $0x1400, s1;
	s29 =	sadd.s32 $0x8E80, s24  }
0x230: {  	[tilespmem:s29], [sflag:$0x1] =	stream.linear.gather [spmem:s26], $0x80, $0x38;
	[tilespmem:$0x19680] =	vst v63  }
0x231: {  	s26 =	sadd.s32 $0x1800, s1;
	s29 =	sadd.s32 $0x9280, s24  }
0x232: {  	[tilespmem:s29], [sflag:$0x1] =	stream.linear.gather [spmem:s26], $0x80, $0x38;
	[tilespmem:$0x19680] =	vst v63  }
0x233: {  	s26 =	sadd.s32 $0x1C00, s1;
	s29 =	sadd.s32 $0x9680, s24  }
0x234: {  	[tilespmem:s29], [sflag:$0x1] =	stream.linear.gather [spmem:s26], $0x80, $0x38;
	[tilespmem:$0x19680] =	vst v63  }
0x235: {  	s26 =	sadd.s32 $0x2000, s1;
	s29 =	sadd.s32 $0x9A80, s24  }
0x236: {  	[tilespmem:s29], [sflag:$0x1] =	stream.linear.gather [spmem:s26], $0x80, $0x38;
	[tilespmem:$0x19680] =	vst v63  }
0x237: {  	s26 =	sadd.s32 $0x2400, s1;
	s29 =	sadd.s32 $0x9E80, s24  }
0x238: {  	[tilespmem:s29], [sflag:$0x1] =	stream.linear.gather [spmem:s26], $0x80, $0x38;
	[tilespmem:$0x19680] =	vst v63  }
0x239: {  	s26 =	sadd.s32 $0x2800, s1;
	s29 =	sadd.s32 $0xA280, s24  }
0x23a: {  	[tilespmem:s29], [sflag:$0x1] =	stream.linear.gather [spmem:s26], $0x80, $0x38;
	[tilespmem:$0x19680] =	vst v63  }
0x23b: {  	s26 =	sadd.s32 $0x2C00, s1;
	s29 =	sadd.s32 $0xA680, s24  }
0x23c: {  	(v2sf) =	vpush v3, $0xB;
	[tilespmem:s29], [sflag:$0x1] =	stream.linear.gather [spmem:s26], $0x80, $0x38;
	[tilespmem:$0x19680] =	vst v63  }
0x23d: {  	s26 =	sadd.s32 $0x3000, s1;
	s29 =	sadd.s32 $0xAA80, s24  }
0x23e: {  	[tilespmem:s29], [sflag:$0x1] =	stream.linear.gather [spmem:s26], $0x80, $0x38;
	[tilespmem:$0x19680] =	vst v63  }
0x23f: {  	s26 =	sadd.s32 $0x3400, s1;
	s29 =	sadd.s32 $0xAE80, s24  }
0x240: {  	[tilespmem:s29], [sflag:$0x1] =	stream.linear.gather [spmem:s26], $0x80, $0x38;
	[tilespmem:$0x19680] =	vst v63  }
0x241: {  	s26 =	sadd.s32 $0x3800, s1;
	s29 =	sadd.s32 $0xB280, s24  }
0x242: {  	[tilespmem:s29], [sflag:$0x1] =	stream.linear.gather [spmem:s26], $0x80, $0x38;
	[tilespmem:$0x19680] =	vst v63  }
0x243: {  	s26 =	sadd.s32 $0x3C00, s1;
	s29 =	sadd.s32 $0xB680, s24  }
0x244: {  	[tilespmem:s29], [sflag:$0x1] =	stream.linear.gather [spmem:s26], $0x80, $0x38;
	[tilespmem:$0x19680] =	vst v63  }
0x245: {  	s26 =	sadd.s32 $0x4000, s1;
	s29 =	sadd.s32 $0xBA80, s24  }
0x246: {  	[tilespmem:s29], [sflag:$0x1] =	stream.linear.gather [spmem:s26], $0x80, $0x38;
	[tilespmem:$0x19680] =	vst v63  }
0x247: {  	s26 =	sadd.s32 $0x4400, s1;
	s29 =	sadd.s32 $0xBE80, s24  }
0x248: {  	[tilespmem:s29], [sflag:$0x1] =	stream.linear.gather [spmem:s26], $0x80, $0x38;
	[tilespmem:$0x19680] =	vst v63  }
0x249: {  	s26 =	sadd.s32 $0x4800, s1;
	s29 =	sadd.s32 $0xC280, s24  }
0x24a: {  	[tilespmem:s29], [sflag:$0x1] =	stream.linear.gather [spmem:s26], $0x80, $0x38;
	[tilespmem:$0x19680] =	vst v63  }
0x24b: {  	s26 =	spop (v2sf)  }
0x24c: {  	s28 =	sshrl.u32 s26, $0x3  }
0x24d: {  	s1 =	sadd.s32 $0x4C00, s1;
	s29 =	sadd.s32 $0xC680, s24;
	s28 =	smul.u32 $0x14000, s28  }
0x24e: {  	[tilespmem:s29], [sflag:$0x1] =	stream.linear.gather [spmem:s1], $0x80, $0x38;
	[tilespmem:$0x19680] =	vst v63  }
0x24f: {  	s26 =	sshll.u32 s26, $0x7;
	s28 =	sshra.s32 s28, $0x2  }
0x250: {  	s1 =	sand.u32 $0x380, s26;
	s26 =	sadd.s32 s28, s2  }
0x251: {  	s29 =	sadd.s32 $0x7B00, s24;
	s1 =	sadd.s32 s1, s26  }
0x252: {  	[tilespmem:s29], [sflag:$0x1] =	stream.linear.gather [spmem:s1], $0x80, $0x38;
	[tilespmem:$0x19680] =	vst v63  }
0x253: {  	s26 =	sadd.s32 $0x400, s1;
	s29 =	sadd.s32 $0x7F00, s24  }
0x254: {  	[tilespmem:s29], [sflag:$0x1] =	stream.linear.gather [spmem:s26], $0x80, $0x38;
	[tilespmem:$0x19680] =	vst v63  }
0x255: {  	s26 =	sadd.s32 $0x800, s1;
	s29 =	sadd.s32 $0x8300, s24  }
0x256: {  	[tilespmem:s29], [sflag:$0x1] =	stream.linear.gather [spmem:s26], $0x80, $0x38;
	[tilespmem:$0x19680] =	vst v63  }
0x257: {  	s26 =	sadd.s32 $0xC00, s1;
	s29 =	sadd.s32 $0x8700, s24  }
0x258: {  	[tilespmem:s29], [sflag:$0x1] =	stream.linear.gather [spmem:s26], $0x80, $0x38;
	[tilespmem:$0x19680] =	vst v63  }
0x259: {  	s26 =	sadd.s32 $0x1000, s1;
	s29 =	sadd.s32 $0x8B00, s24  }
0x25a: {  	[tilespmem:s29], [sflag:$0x1] =	stream.linear.gather [spmem:s26], $0x80, $0x38;
	[tilespmem:$0x19680] =	vst v63  }
0x25b: {  	s26 =	sadd.s32 $0x1400, s1;
	s29 =	sadd.s32 $0x8F00, s24  }
0x25c: {  	[tilespmem:s29], [sflag:$0x1] =	stream.linear.gather [spmem:s26], $0x80, $0x38;
	[tilespmem:$0x19680] =	vst v63  }
0x25d: {  	s26 =	sadd.s32 $0x1800, s1;
	s29 =	sadd.s32 $0x9300, s24  }
0x25e: {  	[tilespmem:s29], [sflag:$0x1] =	stream.linear.gather [spmem:s26], $0x80, $0x38;
	[tilespmem:$0x19680] =	vst v63  }
0x25f: {  	s26 =	sadd.s32 $0x1C00, s1;
	s29 =	sadd.s32 $0x9700, s24  }
0x260: {  	[tilespmem:s29], [sflag:$0x1] =	stream.linear.gather [spmem:s26], $0x80, $0x38;
	[tilespmem:$0x19680] =	vst v63  }
0x261: {  	s26 =	sadd.s32 $0x2000, s1;
	s29 =	sadd.s32 $0x9B00, s24  }
0x262: {  	[tilespmem:s29], [sflag:$0x1] =	stream.linear.gather [spmem:s26], $0x80, $0x38;
	[tilespmem:$0x19680] =	vst v63  }
0x263: {  	s26 =	sadd.s32 $0x2400, s1;
	s29 =	sadd.s32 $0x9F00, s24  }
0x264: {  	[tilespmem:s29], [sflag:$0x1] =	stream.linear.gather [spmem:s26], $0x80, $0x38;
	[tilespmem:$0x19680] =	vst v63  }
0x265: {  	s26 =	sadd.s32 $0x2800, s1;
	s29 =	sadd.s32 $0xA300, s24  }
0x266: {  	[tilespmem:s29], [sflag:$0x1] =	stream.linear.gather [spmem:s26], $0x80, $0x38;
	[tilespmem:$0x19680] =	vst v63  }
0x267: {  	s26 =	sadd.s32 $0x2C00, s1;
	s29 =	sadd.s32 $0xA700, s24  }
0x268: {  	(v2sf) =	vpush v3, $0xC;
	[tilespmem:s29], [sflag:$0x1] =	stream.linear.gather [spmem:s26], $0x80, $0x38;
	[tilespmem:$0x19680] =	vst v63  }
0x269: {  	s26 =	sadd.s32 $0x3000, s1;
	s29 =	sadd.s32 $0xAB00, s24  }
0x26a: {  	[tilespmem:s29], [sflag:$0x1] =	stream.linear.gather [spmem:s26], $0x80, $0x38;
	[tilespmem:$0x19680] =	vst v63  }
0x26b: {  	s26 =	sadd.s32 $0x3400, s1;
	s29 =	sadd.s32 $0xAF00, s24  }
0x26c: {  	[tilespmem:s29], [sflag:$0x1] =	stream.linear.gather [spmem:s26], $0x80, $0x38;
	[tilespmem:$0x19680] =	vst v63  }
0x26d: {  	s26 =	sadd.s32 $0x3800, s1;
	s29 =	sadd.s32 $0xB300, s24  }
0x26e: {  	[tilespmem:s29], [sflag:$0x1] =	stream.linear.gather [spmem:s26], $0x80, $0x38;
	[tilespmem:$0x19680] =	vst v63  }
0x26f: {  	s26 =	sadd.s32 $0x3C00, s1;
	s29 =	sadd.s32 $0xB700, s24  }
0x270: {  	[tilespmem:s29], [sflag:$0x1] =	stream.linear.gather [spmem:s26], $0x80, $0x38;
	[tilespmem:$0x19680] =	vst v63  }
0x271: {  	s26 =	sadd.s32 $0x4000, s1;
	s29 =	sadd.s32 $0xBB00, s24  }
0x272: {  	[tilespmem:s29], [sflag:$0x1] =	stream.linear.gather [spmem:s26], $0x80, $0x38;
	[tilespmem:$0x19680] =	vst v63  }
0x273: {  	s26 =	sadd.s32 $0x4400, s1;
	s29 =	sadd.s32 $0xBF00, s24  }
0x274: {  	[tilespmem:s29], [sflag:$0x1] =	stream.linear.gather [spmem:s26], $0x80, $0x38;
	[tilespmem:$0x19680] =	vst v63  }
0x275: {  	s26 =	sadd.s32 $0x4800, s1;
	s29 =	sadd.s32 $0xC300, s24  }
0x276: {  	[tilespmem:s29], [sflag:$0x1] =	stream.linear.gather [spmem:s26], $0x80, $0x38;
	[tilespmem:$0x19680] =	vst v63  }
0x277: {  	s26 =	spop (v2sf)  }
0x278: {  	s28 =	sshrl.u32 s26, $0x3  }
0x279: {  	s1 =	sadd.s32 $0x4C00, s1;
	s29 =	sadd.s32 $0xC700, s24;
	s28 =	smul.u32 $0x14000, s28  }
0x27a: {  	[tilespmem:s29], [sflag:$0x1] =	stream.linear.gather [spmem:s1], $0x80, $0x38;
	[tilespmem:$0x19680] =	vst v63  }
0x27b: {  	s26 =	sshll.u32 s26, $0x7;
	s28 =	sshra.s32 s28, $0x2  }
0x27c: {  	s1 =	sand.u32 $0x380, s26;
	s26 =	sadd.s32 s28, s2  }
0x27d: {  	s29 =	sadd.s32 $0x7B80, s24;
	s1 =	sadd.s32 s1, s26  }
0x27e: {  	[tilespmem:s29], [sflag:$0x1] =	stream.linear.gather [spmem:s1], $0x80, $0x38;
	[tilespmem:$0x19680] =	vst v63  }
0x27f: {  	s26 =	sadd.s32 $0x400, s1;
	s29 =	sadd.s32 $0x7F80, s24  }
0x280: {  	[tilespmem:s29], [sflag:$0x1] =	stream.linear.gather [spmem:s26], $0x80, $0x38;
	[tilespmem:$0x19680] =	vst v63  }
0x281: {  	s26 =	sadd.s32 $0x800, s1;
	s29 =	sadd.s32 $0x8380, s24  }
0x282: {  	[tilespmem:s29], [sflag:$0x1] =	stream.linear.gather [spmem:s26], $0x80, $0x38;
	[tilespmem:$0x19680] =	vst v63  }
0x283: {  	s26 =	sadd.s32 $0xC00, s1;
	s29 =	sadd.s32 $0x8780, s24  }
0x284: {  	[tilespmem:s29], [sflag:$0x1] =	stream.linear.gather [spmem:s26], $0x80, $0x38;
	[tilespmem:$0x19680] =	vst v63  }
0x285: {  	s26 =	sadd.s32 $0x1000, s1;
	s29 =	sadd.s32 $0x8B80, s24  }
0x286: {  	[tilespmem:s29], [sflag:$0x1] =	stream.linear.gather [spmem:s26], $0x80, $0x38;
	[tilespmem:$0x19680] =	vst v63  }
0x287: {  	s26 =	sadd.s32 $0x1400, s1;
	s29 =	sadd.s32 $0x8F80, s24  }
0x288: {  	[tilespmem:s29], [sflag:$0x1] =	stream.linear.gather [spmem:s26], $0x80, $0x38;
	[tilespmem:$0x19680] =	vst v63  }
0x289: {  	s26 =	sadd.s32 $0x1800, s1;
	s29 =	sadd.s32 $0x9380, s24  }
0x28a: {  	[tilespmem:s29], [sflag:$0x1] =	stream.linear.gather [spmem:s26], $0x80, $0x38;
	[tilespmem:$0x19680] =	vst v63  }
0x28b: {  	s26 =	sadd.s32 $0x1C00, s1;
	s29 =	sadd.s32 $0x9780, s24  }
0x28c: {  	[tilespmem:s29], [sflag:$0x1] =	stream.linear.gather [spmem:s26], $0x80, $0x38;
	[tilespmem:$0x19680] =	vst v63  }
0x28d: {  	s26 =	sadd.s32 $0x2000, s1;
	s29 =	sadd.s32 $0x9B80, s24  }
0x28e: {  	[tilespmem:s29], [sflag:$0x1] =	stream.linear.gather [spmem:s26], $0x80, $0x38;
	[tilespmem:$0x19680] =	vst v63  }
0x28f: {  	s26 =	sadd.s32 $0x2400, s1;
	s29 =	sadd.s32 $0x9F80, s24  }
0x290: {  	[tilespmem:s29], [sflag:$0x1] =	stream.linear.gather [spmem:s26], $0x80, $0x38;
	[tilespmem:$0x19680] =	vst v63  }
0x291: {  	s26 =	sadd.s32 $0x2800, s1;
	s29 =	sadd.s32 $0xA380, s24  }
0x292: {  	[tilespmem:s29], [sflag:$0x1] =	stream.linear.gather [spmem:s26], $0x80, $0x38;
	[tilespmem:$0x19680] =	vst v63  }
0x293: {  	s26 =	sadd.s32 $0x2C00, s1;
	s29 =	sadd.s32 $0xA780, s24  }
0x294: {  	(v2sf) =	vpush v3, $0xD;
	[tilespmem:s29], [sflag:$0x1] =	stream.linear.gather [spmem:s26], $0x80, $0x38;
	[tilespmem:$0x19680] =	vst v63  }
0x295: {  	s26 =	sadd.s32 $0x3000, s1;
	s29 =	sadd.s32 $0xAB80, s24  }
0x296: {  	[tilespmem:s29], [sflag:$0x1] =	stream.linear.gather [spmem:s26], $0x80, $0x38;
	[tilespmem:$0x19680] =	vst v63  }
0x297: {  	s26 =	sadd.s32 $0x3400, s1;
	s29 =	sadd.s32 $0xAF80, s24  }
0x298: {  	[tilespmem:s29], [sflag:$0x1] =	stream.linear.gather [spmem:s26], $0x80, $0x38;
	[tilespmem:$0x19680] =	vst v63  }
0x299: {  	s26 =	sadd.s32 $0x3800, s1;
	s29 =	sadd.s32 $0xB380, s24  }
0x29a: {  	[tilespmem:s29], [sflag:$0x1] =	stream.linear.gather [spmem:s26], $0x80, $0x38;
	[tilespmem:$0x19680] =	vst v63  }
0x29b: {  	s26 =	sadd.s32 $0x3C00, s1;
	s29 =	sadd.s32 $0xB780, s24  }
0x29c: {  	[tilespmem:s29], [sflag:$0x1] =	stream.linear.gather [spmem:s26], $0x80, $0x38;
	[tilespmem:$0x19680] =	vst v63  }
0x29d: {  	s26 =	sadd.s32 $0x4000, s1;
	s29 =	sadd.s32 $0xBB80, s24  }
0x29e: {  	[tilespmem:s29], [sflag:$0x1] =	stream.linear.gather [spmem:s26], $0x80, $0x38;
	[tilespmem:$0x19680] =	vst v63  }
0x29f: {  	s26 =	sadd.s32 $0x4400, s1;
	s29 =	sadd.s32 $0xBF80, s24  }
0x2a0: {  	[tilespmem:s29], [sflag:$0x1] =	stream.linear.gather [spmem:s26], $0x80, $0x38;
	[tilespmem:$0x19680] =	vst v63  }
0x2a1: {  	s26 =	sadd.s32 $0x4800, s1;
	s29 =	sadd.s32 $0xC380, s24  }
0x2a2: {  	[tilespmem:s29], [sflag:$0x1] =	stream.linear.gather [spmem:s26], $0x80, $0x38;
	[tilespmem:$0x19680] =	vst v63  }
0x2a3: {  	s26 =	spop (v2sf)  }
0x2a4: {  	s28 =	sshrl.u32 s26, $0x3  }
0x2a5: {  	s1 =	sadd.s32 $0x4C00, s1;
	s29 =	sadd.s32 $0xC780, s24;
	s28 =	smul.u32 $0x14000, s28  }
0x2a6: {  	[tilespmem:s29], [sflag:$0x1] =	stream.linear.gather [spmem:s1], $0x80, $0x38;
	[tilespmem:$0x19680] =	vst v63  }
0x2a7: {  	s26 =	sshll.u32 s26, $0x7;
	s28 =	sshra.s32 s28, $0x2  }
0x2a8: {  	s1 =	sand.u32 $0x380, s26;
	s26 =	sadd.s32 s28, s2  }
0x2a9: {  	s29 =	sadd.s32 $0x7C00, s24;
	s1 =	sadd.s32 s1, s26  }
0x2aa: {  	[tilespmem:s29], [sflag:$0x1] =	stream.linear.gather [spmem:s1], $0x80, $0x38;
	[tilespmem:$0x19680] =	vst v63  }
0x2ab: {  	s26 =	sadd.s32 $0x400, s1;
	s29 =	sadd.s32 $0x8000, s24  }
0x2ac: {  	[tilespmem:s29], [sflag:$0x1] =	stream.linear.gather [spmem:s26], $0x80, $0x38;
	[tilespmem:$0x19680] =	vst v63  }
0x2ad: {  	s26 =	sadd.s32 $0x800, s1;
	s29 =	sadd.s32 $0x8400, s24  }
0x2ae: {  	[tilespmem:s29], [sflag:$0x1] =	stream.linear.gather [spmem:s26], $0x80, $0x38;
	[tilespmem:$0x19680] =	vst v63  }
0x2af: {  	s26 =	sadd.s32 $0xC00, s1;
	s29 =	sadd.s32 $0x8800, s24  }
0x2b0: {  	[tilespmem:s29], [sflag:$0x1] =	stream.linear.gather [spmem:s26], $0x80, $0x38;
	[tilespmem:$0x19680] =	vst v63  }
0x2b1: {  	s26 =	sadd.s32 $0x1000, s1;
	s29 =	sadd.s32 $0x8C00, s24  }
0x2b2: {  	[tilespmem:s29], [sflag:$0x1] =	stream.linear.gather [spmem:s26], $0x80, $0x38;
	[tilespmem:$0x19680] =	vst v63  }
0x2b3: {  	s26 =	sadd.s32 $0x1400, s1;
	s29 =	sadd.s32 $0x9000, s24  }
0x2b4: {  	[tilespmem:s29], [sflag:$0x1] =	stream.linear.gather [spmem:s26], $0x80, $0x38;
	[tilespmem:$0x19680] =	vst v63  }
0x2b5: {  	s26 =	sadd.s32 $0x1800, s1;
	s29 =	sadd.s32 $0x9400, s24  }
0x2b6: {  	[tilespmem:s29], [sflag:$0x1] =	stream.linear.gather [spmem:s26], $0x80, $0x38;
	[tilespmem:$0x19680] =	vst v63  }
0x2b7: {  	s26 =	sadd.s32 $0x1C00, s1;
	s29 =	sadd.s32 $0x9800, s24  }
0x2b8: {  	[tilespmem:s29], [sflag:$0x1] =	stream.linear.gather [spmem:s26], $0x80, $0x38;
	[tilespmem:$0x19680] =	vst v63  }
0x2b9: {  	s26 =	sadd.s32 $0x2000, s1;
	s29 =	sadd.s32 $0x9C00, s24  }
0x2ba: {  	[tilespmem:s29], [sflag:$0x1] =	stream.linear.gather [spmem:s26], $0x80, $0x38;
	[tilespmem:$0x19680] =	vst v63  }
0x2bb: {  	s26 =	sadd.s32 $0x2400, s1;
	s29 =	sadd.s32 $0xA000, s24  }
0x2bc: {  	[tilespmem:s29], [sflag:$0x1] =	stream.linear.gather [spmem:s26], $0x80, $0x38;
	[tilespmem:$0x19680] =	vst v63  }
0x2bd: {  	s26 =	sadd.s32 $0x2800, s1;
	s29 =	sadd.s32 $0xA400, s24  }
0x2be: {  	[tilespmem:s29], [sflag:$0x1] =	stream.linear.gather [spmem:s26], $0x80, $0x38;
	[tilespmem:$0x19680] =	vst v63  }
0x2bf: {  	s26 =	sadd.s32 $0x2C00, s1;
	s29 =	sadd.s32 $0xA800, s24  }
0x2c0: {  	(v2sf) =	vpush v3, $0xE;
	[tilespmem:s29], [sflag:$0x1] =	stream.linear.gather [spmem:s26], $0x80, $0x38;
	[tilespmem:$0x19680] =	vst v63  }
0x2c1: {  	s26 =	sadd.s32 $0x3000, s1;
	s29 =	sadd.s32 $0xAC00, s24  }
0x2c2: {  	[tilespmem:s29], [sflag:$0x1] =	stream.linear.gather [spmem:s26], $0x80, $0x38;
	[tilespmem:$0x19680] =	vst v63  }
0x2c3: {  	s26 =	sadd.s32 $0x3400, s1;
	s29 =	sadd.s32 $0xB000, s24  }
0x2c4: {  	[tilespmem:s29], [sflag:$0x1] =	stream.linear.gather [spmem:s26], $0x80, $0x38;
	[tilespmem:$0x19680] =	vst v63  }
0x2c5: {  	s26 =	sadd.s32 $0x3800, s1;
	s29 =	sadd.s32 $0xB400, s24  }
0x2c6: {  	[tilespmem:s29], [sflag:$0x1] =	stream.linear.gather [spmem:s26], $0x80, $0x38;
	[tilespmem:$0x19680] =	vst v63  }
0x2c7: {  	s26 =	sadd.s32 $0x3C00, s1;
	s29 =	sadd.s32 $0xB800, s24  }
0x2c8: {  	[tilespmem:s29], [sflag:$0x1] =	stream.linear.gather [spmem:s26], $0x80, $0x38;
	[tilespmem:$0x19680] =	vst v63  }
0x2c9: {  	s26 =	sadd.s32 $0x4000, s1;
	s29 =	sadd.s32 $0xBC00, s24  }
0x2ca: {  	[tilespmem:s29], [sflag:$0x1] =	stream.linear.gather [spmem:s26], $0x80, $0x38;
	[tilespmem:$0x19680] =	vst v63  }
0x2cb: {  	s26 =	sadd.s32 $0x4400, s1;
	s29 =	sadd.s32 $0xC000, s24  }
0x2cc: {  	[tilespmem:s29], [sflag:$0x1] =	stream.linear.gather [spmem:s26], $0x80, $0x38;
	[tilespmem:$0x19680] =	vst v63  }
0x2cd: {  	s26 =	sadd.s32 $0x4800, s1;
	s29 =	sadd.s32 $0xC400, s24  }
0x2ce: {  	[tilespmem:s29], [sflag:$0x1] =	stream.linear.gather [spmem:s26], $0x80, $0x38;
	[tilespmem:$0x19680] =	vst v63  }
0x2cf: {  	s26 =	spop (v2sf)  }
0x2d0: {  	s28 =	sshrl.u32 s26, $0x3  }
0x2d1: {  	s1 =	sadd.s32 $0x4C00, s1;
	s29 =	sadd.s32 $0xC800, s24;
	s28 =	smul.u32 $0x14000, s28  }
0x2d2: {  	[tilespmem:s29], [sflag:$0x1] =	stream.linear.gather [spmem:s1], $0x80, $0x38;
	[tilespmem:$0x19680] =	vst v63  }
0x2d3: {  	s26 =	sshll.u32 s26, $0x7;
	s28 =	sshra.s32 s28, $0x2  }
0x2d4: {  	s1 =	sand.u32 $0x380, s26;
	s26 =	sadd.s32 s28, s2  }
0x2d5: {  	s29 =	sadd.s32 $0x7C80, s24;
	s1 =	sadd.s32 s1, s26  }
0x2d6: {  	[tilespmem:s29], [sflag:$0x1] =	stream.linear.gather [spmem:s1], $0x80, $0x38;
	[tilespmem:$0x19680] =	vst v63  }
0x2d7: {  	s26 =	sadd.s32 $0x400, s1;
	s29 =	sadd.s32 $0x8080, s24  }
0x2d8: {  	[tilespmem:s29], [sflag:$0x1] =	stream.linear.gather [spmem:s26], $0x80, $0x38;
	[tilespmem:$0x19680] =	vst v63  }
0x2d9: {  	s26 =	sadd.s32 $0x800, s1;
	s29 =	sadd.s32 $0x8480, s24  }
0x2da: {  	[tilespmem:s29], [sflag:$0x1] =	stream.linear.gather [spmem:s26], $0x80, $0x38;
	[tilespmem:$0x19680] =	vst v63  }
0x2db: {  	s26 =	sadd.s32 $0xC00, s1;
	s29 =	sadd.s32 $0x8880, s24  }
0x2dc: {  	[tilespmem:s29], [sflag:$0x1] =	stream.linear.gather [spmem:s26], $0x80, $0x38;
	[tilespmem:$0x19680] =	vst v63  }
0x2dd: {  	s26 =	sadd.s32 $0x1000, s1;
	s29 =	sadd.s32 $0x8C80, s24  }
0x2de: {  	[tilespmem:s29], [sflag:$0x1] =	stream.linear.gather [spmem:s26], $0x80, $0x38;
	[tilespmem:$0x19680] =	vst v63  }
0x2df: {  	s26 =	sadd.s32 $0x1400, s1;
	s29 =	sadd.s32 $0x9080, s24  }
0x2e0: {  	[tilespmem:s29], [sflag:$0x1] =	stream.linear.gather [spmem:s26], $0x80, $0x38;
	[tilespmem:$0x19680] =	vst v63  }
0x2e1: {  	s26 =	sadd.s32 $0x1800, s1;
	s29 =	sadd.s32 $0x9480, s24  }
0x2e2: {  	[tilespmem:s29], [sflag:$0x1] =	stream.linear.gather [spmem:s26], $0x80, $0x38;
	[tilespmem:$0x19680] =	vst v63  }
0x2e3: {  	s26 =	sadd.s32 $0x1C00, s1;
	s29 =	sadd.s32 $0x9880, s24  }
0x2e4: {  	[tilespmem:s29], [sflag:$0x1] =	stream.linear.gather [spmem:s26], $0x80, $0x38;
	[tilespmem:$0x19680] =	vst v63  }
0x2e5: {  	s26 =	sadd.s32 $0x2000, s1;
	s29 =	sadd.s32 $0x9C80, s24  }
0x2e6: {  	[tilespmem:s29], [sflag:$0x1] =	stream.linear.gather [spmem:s26], $0x80, $0x38;
	[tilespmem:$0x19680] =	vst v63  }
0x2e7: {  	s26 =	sadd.s32 $0x2400, s1;
	s29 =	sadd.s32 $0xA080, s24  }
0x2e8: {  	[tilespmem:s29], [sflag:$0x1] =	stream.linear.gather [spmem:s26], $0x80, $0x38;
	[tilespmem:$0x19680] =	vst v63  }
0x2e9: {  	s26 =	sadd.s32 $0x2800, s1;
	s29 =	sadd.s32 $0xA480, s24  }
0x2ea: {  	[tilespmem:s29], [sflag:$0x1] =	stream.linear.gather [spmem:s26], $0x80, $0x38;
	[tilespmem:$0x19680] =	vst v63  }
0x2eb: {  	s26 =	sadd.s32 $0x2C00, s1;
	s29 =	sadd.s32 $0xA880, s24  }
0x2ec: {  	(v2sf) =	vpush v3, $0xF;
	[tilespmem:s29], [sflag:$0x1] =	stream.linear.gather [spmem:s26], $0x80, $0x38;
	[tilespmem:$0x19680] =	vst v63  }
0x2ed: {  	s26 =	sadd.s32 $0x3000, s1;
	s29 =	sadd.s32 $0xAC80, s24  }
0x2ee: {  	[tilespmem:s29], [sflag:$0x1] =	stream.linear.gather [spmem:s26], $0x80, $0x38;
	[tilespmem:$0x19680] =	vst v63  }
0x2ef: {  	s26 =	sadd.s32 $0x3400, s1;
	s29 =	sadd.s32 $0xB080, s24  }
0x2f0: {  	[tilespmem:s29], [sflag:$0x1] =	stream.linear.gather [spmem:s26], $0x80, $0x38;
	[tilespmem:$0x19680] =	vst v63  }
0x2f1: {  	s26 =	sadd.s32 $0x3800, s1;
	s29 =	sadd.s32 $0xB480, s24  }
0x2f2: {  	[tilespmem:s29], [sflag:$0x1] =	stream.linear.gather [spmem:s26], $0x80, $0x38;
	[tilespmem:$0x19680] =	vst v63  }
0x2f3: {  	s26 =	sadd.s32 $0x3C00, s1;
	s29 =	sadd.s32 $0xB880, s24  }
0x2f4: {  	[tilespmem:s29], [sflag:$0x1] =	stream.linear.gather [spmem:s26], $0x80, $0x38;
	[tilespmem:$0x19680] =	vst v63  }
0x2f5: {  	s26 =	sadd.s32 $0x4000, s1;
	s29 =	sadd.s32 $0xBC80, s24  }
0x2f6: {  	[tilespmem:s29], [sflag:$0x1] =	stream.linear.gather [spmem:s26], $0x80, $0x38;
	[tilespmem:$0x19680] =	vst v63  }
0x2f7: {  	s26 =	sadd.s32 $0x4400, s1;
	s29 =	sadd.s32 $0xC080, s24  }
0x2f8: {  	[tilespmem:s29], [sflag:$0x1] =	stream.linear.gather [spmem:s26], $0x80, $0x38;
	[tilespmem:$0x19680] =	vst v63  }
0x2f9: {  	s26 =	sadd.s32 $0x4800, s1;
	s29 =	sadd.s32 $0xC480, s24  }
0x2fa: {  	[tilespmem:s29], [sflag:$0x1] =	stream.linear.gather [spmem:s26], $0x80, $0x38;
	[tilespmem:$0x19680] =	vst v63  }
0x2fb: {  	s26 =	spop (v2sf)  }
0x2fc: {  	s28 =	sshrl.u32 s26, $0x3  }
0x2fd: {  	s1 =	sadd.s32 $0x4C00, s1;
	s29 =	sadd.s32 $0xC880, s24;
	s28 =	smul.u32 $0x14000, s28  }
0x2fe: {  	[tilespmem:s29], [sflag:$0x1] =	stream.linear.gather [spmem:s1], $0x80, $0x38;
	[tilespmem:$0x19680] =	vst v63  }
0x2ff: {  	s26 =	sshll.u32 s26, $0x7;
	s28 =	sshra.s32 s28, $0x2  }
0x300: {  	s1 =	sand.u32 $0x380, s26;
	s26 =	sadd.s32 s28, s2  }
0x301: {  	s29 =	sadd.s32 $0x7D00, s24;
	s1 =	sadd.s32 s1, s26  }
0x302: {  	[tilespmem:s29], [sflag:$0x1] =	stream.linear.gather [spmem:s1], $0x80, $0x38;
	[tilespmem:$0x19680] =	vst v63  }
0x303: {  	s26 =	sadd.s32 $0x400, s1;
	s29 =	sadd.s32 $0x8100, s24  }
0x304: {  	[tilespmem:s29], [sflag:$0x1] =	stream.linear.gather [spmem:s26], $0x80, $0x38;
	[tilespmem:$0x19680] =	vst v63  }
0x305: {  	s26 =	sadd.s32 $0x800, s1;
	s29 =	sadd.s32 $0x8500, s24  }
0x306: {  	[tilespmem:s29], [sflag:$0x1] =	stream.linear.gather [spmem:s26], $0x80, $0x38;
	[tilespmem:$0x19680] =	vst v63  }
0x307: {  	s26 =	sadd.s32 $0xC00, s1;
	s29 =	sadd.s32 $0x8900, s24  }
0x308: {  	[tilespmem:s29], [sflag:$0x1] =	stream.linear.gather [spmem:s26], $0x80, $0x38;
	[tilespmem:$0x19680] =	vst v63  }
0x309: {  	s26 =	sadd.s32 $0x1000, s1;
	s29 =	sadd.s32 $0x8D00, s24  }
0x30a: {  	[tilespmem:s29], [sflag:$0x1] =	stream.linear.gather [spmem:s26], $0x80, $0x38;
	[tilespmem:$0x19680] =	vst v63  }
0x30b: {  	s26 =	sadd.s32 $0x1400, s1;
	s29 =	sadd.s32 $0x9100, s24  }
0x30c: {  	[tilespmem:s29], [sflag:$0x1] =	stream.linear.gather [spmem:s26], $0x80, $0x38;
	[tilespmem:$0x19680] =	vst v63  }
0x30d: {  	s26 =	sadd.s32 $0x1800, s1;
	s29 =	sadd.s32 $0x9500, s24  }
0x30e: {  	[tilespmem:s29], [sflag:$0x1] =	stream.linear.gather [spmem:s26], $0x80, $0x38;
	[tilespmem:$0x19680] =	vst v63  }
0x30f: {  	s26 =	sadd.s32 $0x1C00, s1;
	s29 =	sadd.s32 $0x9900, s24  }
0x310: {  	[tilespmem:s29], [sflag:$0x1] =	stream.linear.gather [spmem:s26], $0x80, $0x38;
	[tilespmem:$0x19680] =	vst v63  }
0x311: {  	s26 =	sadd.s32 $0x2000, s1;
	s29 =	sadd.s32 $0x9D00, s24  }
0x312: {  	[tilespmem:s29], [sflag:$0x1] =	stream.linear.gather [spmem:s26], $0x80, $0x38;
	[tilespmem:$0x19680] =	vst v63  }
0x313: {  	s26 =	sadd.s32 $0x2400, s1;
	s29 =	sadd.s32 $0xA100, s24  }
0x314: {  	[tilespmem:s29], [sflag:$0x1] =	stream.linear.gather [spmem:s26], $0x80, $0x38;
	[tilespmem:$0x19680] =	vst v63  }
0x315: {  	s26 =	sadd.s32 $0x2800, s1;
	s29 =	sadd.s32 $0xA500, s24  }
0x316: {  	[tilespmem:s29], [sflag:$0x1] =	stream.linear.gather [spmem:s26], $0x80, $0x38;
	[tilespmem:$0x19680] =	vst v63  }
0x317: {  	s26 =	sadd.s32 $0x2C00, s1;
	s29 =	sadd.s32 $0xA900, s24  }
0x318: {  	[tilespmem:s29], [sflag:$0x1] =	stream.linear.gather [spmem:s26], $0x80, $0x38;
	[tilespmem:$0x19680] =	vst v63  }
0x319: {  	s26 =	sadd.s32 $0x3000, s1;
	s29 =	sadd.s32 $0xAD00, s24  }
0x31a: {  	[tilespmem:s29], [sflag:$0x1] =	stream.linear.gather [spmem:s26], $0x80, $0x38;
	[tilespmem:$0x19680] =	vst v63  }
0x31b: {  	s26 =	sadd.s32 $0x3400, s1;
	s29 =	sadd.s32 $0xB100, s24  }
0x31c: {  	[tilespmem:s29], [sflag:$0x1] =	stream.linear.gather [spmem:s26], $0x80, $0x38;
	[tilespmem:$0x19680] =	vst v63  }
0x31d: {  	s26 =	sadd.s32 $0x3800, s1;
	s29 =	sadd.s32 $0xB500, s24  }
0x31e: {  	[tilespmem:s29], [sflag:$0x1] =	stream.linear.gather [spmem:s26], $0x80, $0x38;
	[tilespmem:$0x19680] =	vst v63  }
0x31f: {  	s26 =	sadd.s32 $0x3C00, s1;
	s29 =	sadd.s32 $0xB900, s24  }
0x320: {  	[tilespmem:s29], [sflag:$0x1] =	stream.linear.gather [spmem:s26], $0x80, $0x38;
	[tilespmem:$0x19680] =	vst v63  }
0x321: {  	s26 =	sadd.s32 $0x4000, s1;
	s29 =	sadd.s32 $0xBD00, s24  }
0x322: {  	[tilespmem:s29], [sflag:$0x1] =	stream.linear.gather [spmem:s26], $0x80, $0x38;
	[tilespmem:$0x19680] =	vst v63  }
0x323: {  	s26 =	sadd.s32 $0x4400, s1;
	s29 =	sadd.s32 $0xC100, s24  }
0x324: {  	[tilespmem:s29], [sflag:$0x1] =	stream.linear.gather [spmem:s26], $0x80, $0x38;
	[tilespmem:$0x19680] =	vst v63  }
0x325: {  	s26 =	sadd.s32 $0x4800, s1;
	s29 =	sadd.s32 $0xC500, s24  }
0x326: {  	[tilespmem:s29], [sflag:$0x1] =	stream.linear.gather [spmem:s26], $0x80, $0x38;
	[tilespmem:$0x19680] =	vst v63  }
0x327: {  	s1 =	sadd.s32 $0x4C00, s1;
	s24 =	sadd.s32 $0xC900, s24  }
0x328: {  	[tilespmem:s24], [sflag:$0x1] =	stream.linear.gather [spmem:s1], $0x80, $0x38;
	[tilespmem:$0x19680] =	vst v63  }
0x329: {  	_ =	swait.ge [sflag:s30], $0xA00  }
0x32a: {  	[sflag:s30] =	ssyncset.done $0x0  }
0x32b: {  	[sflag:s30] =	ssyncadd.s32 $0xFFFFF600  }
0x32c: {  	_ =	swait.ge [sflag:s30], $0xA00  }
0x32d: {  	[sflag:s30] =	ssyncset.done $0x0  }
0x32e: {  	[sflag:s30] =	ssyncadd.s32 $0xFFFFF600  }
0x32f: {  	_ =	swait.ge [sflag:s30], $0xA00  }
0x330: {  	[sflag:s30] =	ssyncset.done $0x0  }
0x331: {  	[sflag:s30] =	ssyncadd.s32 $0xFFFFF600  }
0x332: {  	_ =	swait.ge [sflag:s30], $0xA00  }
0x333: {  	[sflag:s30] =	ssyncset.done $0x0  }
0x334: {  	[sflag:s30] =	ssyncadd.s32 $0xFFFFF600  }
0x335: {  	_ =	swait.ge [sflag:s30], $0xA00  }
0x336: {  	[sflag:s30] =	ssyncset.done $0x0  }
0x337: {  	[sflag:s30] =	ssyncadd.s32 $0xFFFFF600  }
0x338: {  	_ =	swait.ge [sflag:s30], $0xA00  }
0x339: {  	[sflag:s30] =	ssyncset.done $0x0  }
0x33a: {  	[sflag:s30] =	ssyncadd.s32 $0xFFFFF600  }
0x33b: {  	_ =	swait.ge [sflag:s30], $0xA00  }
0x33c: {  	[sflag:s30] =	ssyncset.done $0x0  }
0x33d: {  	[sflag:s30] =	ssyncadd.s32 $0xFFFFF600  }
0x33e: {  	_ =	swait.ge [sflag:s30], $0xA00  }
0x33f: {  	[sflag:s30] =	ssyncset.done $0x0  }
0x340: {  	[sflag:s30] =	ssyncadd.s32 $0xFFFFF600  }
0x341: {  	_ =	swait.ge [sflag:s30], $0xA00  }
0x342: {  	[sflag:s30] =	ssyncset.done $0x0  }
0x343: {  	[sflag:s30] =	ssyncadd.s32 $0xFFFFF600  }
0x344: {  	_ =	swait.ge [sflag:s30], $0xA00  }
0x345: {  	[sflag:s30] =	ssyncset.done $0x0  }
0x346: {  	[sflag:s30] =	ssyncadd.s32 $0xFFFFF600  }
0x347: {  	_ =	swait.ge [sflag:s30], $0xA00  }
0x348: {  	[sflag:s30] =	ssyncset.done $0x0  }
0x349: {  	[sflag:s30] =	ssyncadd.s32 $0xFFFFF600  }
0x34a: {  	_ =	swait.ge [sflag:s30], $0xA00  }
0x34b: {  	[sflag:s30] =	ssyncset.done $0x0  }
0x34c: {  	[sflag:s30] =	ssyncadd.s32 $0xFFFFF600  }
0x34d: {  	_ =	swait.ge [sflag:s30], $0xA00  }
0x34e: {  	[sflag:s30] =	ssyncset.done $0x0  }
0x34f: {  	[sflag:s30] =	ssyncadd.s32 $0xFFFFF600  }
0x350: {  	_ =	swait.ge [sflag:s30], $0xA00  }
0x351: {  	[sflag:s30] =	ssyncset.done $0x0  }
0x352: {  	[sflag:s30] =	ssyncadd.s32 $0xFFFFF600  }
0x353: {  	_ =	swait.ge [sflag:s30], $0xA00  }
0x354: {  	s22 =	sadd.s32 $0x1, s22;
	[sflag:s30] =	ssyncset.done $0x0  }
0x355: {  	p2 =	sne.s32 s22, $0x10;
	[sflag:s30] =	ssyncadd.s32 $0xFFFFF600  }
.Ltmp3:
0x356: {  	_ =	swait.ge [sflag:s30], $0xA00;
	(pc) =	sbr.rel @p2 .LBB2_7-.Ltmp3, $4  }
0x357: {  	[sflag:s30] =	ssyncset.done $0x0  }
0x358: {  	[sflag:s30] =	ssyncadd.s32 $0xFFFFF600  }
0x359: {  	[hbm4b:s18+s4] =	stream.linear.scatter [tilespmem:s3], [sflag:$0x2], $0xA000, $0x38;
	[tilespmem:$0x19680] =	vst v63  }
0x35a: {  	s6 =	sadd.s32 $0x10, s6;
	s18 =	sadd.s32 $0x1400, s18  }
0x35b: {  	s0 =	sadd.s32 $0x1, s0  }
0x35c: {  	_ =	swait.ge [sflag:s31], $0xA000;
	p2 =	sne.s32 s0, s17  }
.Ltmp4:
0x35d: {  	[sflag:s31] =	ssyncset.done $0x0;
	(pc) =	sbr.rel @p2 .LBB2_1-.Ltmp4, $4  }
0x35e: {  	[sflag:s31] =	ssyncadd.s32 $0xFFFF6000  }
0x35f: {  	_ =	swait.ge [sflag:s31], $0xA000  }
0x360: {  	[sflag:s31] =	ssyncset.done $0x0  }
0x361: {  	[sflag:s31] =	ssyncadd.s32 $0xFFFF6000  }
0x362: {  	_ =	sfence.sel $0x180000  }
0x363: {  	[bflag:$0x0] =	sbarrier.arrive $0xFFFF  }
0x364: {  	_ =	strace $0x90000047  }
0x365: {  	s0 =	stileid.u32;
	[bflag:$0x2] =	sbarrier.arrive $0xFFFF  }
0x366: {  	p0 =	sne.s32 s0, $0x0;
	s0 =	rddreg [dreg:$0x6]  }
0x367: {  	s0 =	sadd.s32 @!p0 $0x100000, s0  }
0x368: {  	[sflag:s0] =	ssyncadd.tile.s32 @!p0 $0x1;
	_ =	shalt  }
.Lfunc_end2:
_tile_overlayer_lowered:
.L_overlay_start_2:
0x369: {  	(tag) =	ssettag $0x2  }
0x36a: {  	s0 =	rddreg [dreg:$0x0];
	s2 =	stileid.u32  }
0x36b: {  	s1 =	rddreg [dreg:$0x1];
	p0 =	sne.s32 s2, $0x0  }
0x36c: {  	s3 =	rddreg [dreg:$0x2];
	[bflag:$0x3] =	sbarrier.arrive $0xFFFF;
	s2 =	simm.s32 @!p0 $0x1C03  }
0x36d: {  	[timem:s3], [sflag:s2] =	dma.local @!p0 [hbm:s0], s1  }
0x36e: {  	s0 =	simm.s32 @!p0 $0x3  }
0x36f: {  	_ =	swait.ge @!p0 [sflag:s0], s1  }
0x370: {  	s1 =	ssub.s32 @!p0 $0x0, s1;
	[sflag:s0] =	ssyncset.done @!p0 $0x0  }
0x371: {  	[sflag:s0] =	ssyncadd.s32 @!p0 s1  }
0x372: {  	[bflag:$0x3] =	sbarrier.arrive $0xFFFF  }
0x373: {  	_ =	shalt  }

</sc_bundles>
